<compile_context>
chip_gen: v7x
topology: tpu7x:2x2x1
jax: 0.10.2.dev20260603
libtpu: 0.0.44.dev20260713+nightly
codegen_flags: <defaults>
</compile_context>

<pallas_src>
import functools

import jax
import jax.numpy as jnp
from jax import lax
from jax.experimental import pallas as pl
from jax.experimental.pallas import tpu as pltpu
from jax.experimental.pallas import tpu_sc as plsc

N_REGIONS = 6
BOUND = 2.5

_B, _C, _H, _W = 8, 96, 224, 224
_N = _B * _C * _H * _W
_ROW = _H * _W
_NW = 32
_PER_W = _N // _NW
_CHUNK = _ROW // 2
_CHUNKS_PER_W = _PER_W // _CHUNK
_ROWS_PER_W = _PER_W // _ROW
_TAB = _B * _C * N_REGIONS


def _sc_body(x_hbm, a_hbm, b_hbm, out_hbm,
             in_v0, in_v1, out_v0, out_v1, a_tab, b_tab,
             sem0, sem1, osem0, osem1):
    wid = lax.axis_index("s") * 2 + lax.axis_index("c")
    pltpu.sync_copy(a_hbm, a_tab)
    pltpu.sync_copy(b_hbm, b_tab)
    w_off = wid * _PER_W
    pltpu.async_copy(x_hbm.at[pl.ds(w_off, _CHUNK)], in_v0, sem0)

    def chunk_body(it, _):
        for b in range(2):
            in_v = in_v0 if b == 0 else in_v1
            sem = sem0 if b == 0 else sem1
            out_v = out_v0 if b == 0 else out_v1
            osem = osem0 if b == 0 else osem1
            k = it * 2 + b
            off = w_off + k * _CHUNK
            base = (wid * _ROWS_PER_W * 2 + k) // 2 * N_REGIONS
            pltpu.make_async_copy(
                x_hbm.at[pl.ds(off, _CHUNK)], in_v, sem).wait()

            nxt = k + 1

            @pl.when(nxt < _CHUNKS_PER_W)
            def _():
                n_in = in_v1 if b == 0 else in_v0
                n_sem = sem1 if b == 0 else sem0
                pltpu.async_copy(
                    x_hbm.at[pl.ds(w_off + nxt * _CHUNK, _CHUNK)],
                    n_in, n_sem)

            @pl.when(k >= 2)
            def _():
                pltpu.make_async_copy(
                    out_v, out_hbm.at[pl.ds(off - 2 * _CHUNK, _CHUNK)],
                    osem).wait()

            @plsc.parallel_loop(0, _CHUNK, step=16, unroll=8)
            def vec_body(i):
                v = in_v[pl.ds(i, 16)]
                s = v * (0.5 * N_REGIONS / BOUND) + (0.5 * N_REGIONS)
                sc = jnp.minimum(jnp.maximum(s, 0.0),
                                 float(N_REGIONS) * 0.999)
                idx = sc.astype(jnp.int32) + base
                a = plsc.load_gather(a_tab, [idx])
                bb = plsc.load_gather(b_tab, [idx])
                out_v[pl.ds(i, 16)] = a + bb * s

            pltpu.async_copy(out_v, out_hbm.at[pl.ds(off, _CHUNK)], osem)
        return 0

    lax.fori_loop(0, _CHUNKS_PER_W // 2, chunk_body, 0)
    last0 = w_off + (_CHUNKS_PER_W - 2) * _CHUNK
    last1 = w_off + (_CHUNKS_PER_W - 1) * _CHUNK
    pltpu.make_async_copy(
        out_v0, out_hbm.at[pl.ds(last0, _CHUNK)], osem0).wait()
    pltpu.make_async_copy(
        out_v1, out_hbm.at[pl.ds(last1, _CHUNK)], osem1).wait()


def kernel(x, points):
    B, C, H, W = x.shape

    slopes = points[:, 1:] - points[:, :-1]
    intercepts = points[:, :-1] - slopes * jnp.arange(
        N_REGIONS, dtype=points.dtype
    )[None, :]
    a_flat = jnp.tile(intercepts, (B, 1)).reshape(-1)
    b_flat = jnp.tile(slopes, (B, 1)).reshape(-1)

    xf = x.reshape(-1)
    sc_kernel = functools.partial(
        pl.kernel,
        out_type=jax.ShapeDtypeStruct((_N,), jnp.float32),
        mesh=plsc.VectorSubcoreMesh(core_axis_name="c", subcore_axis_name="s"),
        compiler_params=pltpu.CompilerParams(needs_layout_passes=False),
        scratch_types=[
            pltpu.VMEM((_CHUNK,), jnp.float32),
            pltpu.VMEM((_CHUNK,), jnp.float32),
            pltpu.VMEM((_CHUNK,), jnp.float32),
            pltpu.VMEM((_CHUNK,), jnp.float32),
            pltpu.VMEM((_TAB,), jnp.float32),
            pltpu.VMEM((_TAB,), jnp.float32),
            pltpu.SemaphoreType.DMA,
            pltpu.SemaphoreType.DMA,
            pltpu.SemaphoreType.DMA,
            pltpu.SemaphoreType.DMA,
        ],
    )(_sc_body)
    out = sc_kernel(xf, a_flat, b_flat)
    return out.reshape(B, C, H, W)

# --- scband reference (transcript-rebuilt; emitter-appended) ---
"""Pipeline reference for scband-pwlubase-90486370992223 (READ-ONLY COPY).

The authoritative reference and input builder live on the scoring server;
editing this copy changes nothing except your own understanding.
"""

import jax, jax.numpy as jnp
import numpy as np

N_REGIONS = 6
BOUND = 2.5
N_CHANNELS = 96


def setup_inputs(seed: int = 0) -> dict:
    key = jax.random.key(seed)
    k1, _ = jax.random.split(key)
    x = jax.random.normal(k1, (8, N_CHANNELS, 224, 224), dtype=jnp.float32)
    # channelwise points, 'relu' init: point values = relu(linspace(-bound, bound))
    locs = jnp.linspace(-BOUND, BOUND, N_REGIONS + 1)
    points = jnp.tile(jnp.maximum(locs, 0.0)[None, :], (N_CHANNELS, 1)).astype(jnp.float32)
    return {"x": x, "points": points}


def pwlu_forward(x, points, bound):
    # channelwise: points has shape [C, n_points]
    n_regions = points.shape[1] - 1
    batch_size = x.shape[0]
    n_channels = x.shape[1]
    other_dims = x.shape[2:]
    x_normal = (x / bound + 1.0) / 2.0
    regions = jnp.floor(jnp.clip(x_normal, 0.0, 0.999) * n_regions)
    dists = x_normal * n_regions - regions
    regions_packed = regions.astype(jnp.int32)
    # moveaxis(0, -1): [B, C, H, W] -> [C, H, W, B], then reshape to [C, -1]
    regions_packed = jnp.moveaxis(regions_packed, 0, -1)
    regions_packed = regions_packed.reshape(n_channels, -1)
    left_points = jnp.take_along_axis(points, regions_packed, axis=-1)
    right_points = jnp.take_along_axis(points, regions_packed + 1, axis=-1)
    left_points = left_points.reshape((n_channels,) + tuple(other_dims) + (batch_size,))
    right_points = right_points.reshape((n_channels,) + tuple(other_dims) + (batch_size,))
    left_points = jnp.moveaxis(left_points, -1, 0)
    right_points = jnp.moveaxis(right_points, -1, 0)
    ret = left_points * (1.0 - dists) + right_points * dists
    return ret


def reference(x, points):
    return pwlu_forward(x, points, BOUND)

if __name__ == "__main__":
    import jax
    _d = setup_inputs()
    print(jax.jit(kernel)(*tuple(_d.values())))

</pallas_src>

<mosaic_0001>
#map = affine_map<(d0, d1) -> (0)>
module attributes {stable_mosaic.version = 14 : i64} {
  func.func @_sc_body(%arg0: i32, %arg1: i32, %arg2: memref<38535168xf32, #tpu.memory_space<hbm>>, %arg3: memref<4608xf32, #tpu.memory_space<hbm>>, %arg4: memref<4608xf32, #tpu.memory_space<hbm>>, %arg5: memref<38535168xf32, #tpu.memory_space<hbm>>, %arg6: memref<25088xf32, #tpu.memory_space<vmem>>, %arg7: memref<25088xf32, #tpu.memory_space<vmem>>, %arg8: memref<25088xf32, #tpu.memory_space<vmem>>, %arg9: memref<25088xf32, #tpu.memory_space<vmem>>, %arg10: memref<4608xf32, #tpu.memory_space<vmem>>, %arg11: memref<4608xf32, #tpu.memory_space<vmem>>, %arg12: memref<!tpu.dma_semaphore, #tpu.memory_space<semaphore_mem>>, %arg13: memref<!tpu.dma_semaphore, #tpu.memory_space<semaphore_mem>>, %arg14: memref<!tpu.dma_semaphore, #tpu.memory_space<semaphore_mem>>, %arg15: memref<!tpu.dma_semaphore, #tpu.memory_space<semaphore_mem>>) attributes {dimension_semantics = [#tpu.dimension_semantics<core_parallel>, #tpu.dimension_semantics<subcore_parallel>], iteration_bounds = array<i64: 2, 16>, scalar_prefetch = 0 : i64, scratch_operands = 10 : i64, tpu.core_type = #tpu.core_type<sc_vector_subcore>, window_params = [{transform_indices = #map}, {transform_indices = #map}, {transform_indices = #map}, {transform_indices = #map}]} {
    %mul3A = arith.constant 2 : i32
    %mul3A_0 = arith.muli %arg1, %mul3A : i32
    %add3A = arith.addi %mul3A_0, %arg0 : i32
    "tpu.region"() ({
      %run_scoped3A = tpu.sem_alloc : memref<!tpu.dma_semaphore, #tpu.memory_space<semaphore_mem>>
      tpu.enqueue_dma source(%arg3 : memref<4608xf32, #tpu.memory_space<hbm>>) target(%arg10 : memref<4608xf32, #tpu.memory_space<vmem>>) target_semaphore(%run_scoped3A : memref<!tpu.dma_semaphore, #tpu.memory_space<semaphore_mem>>)
      tpu.wait_dma2 semaphore(%run_scoped3A : memref<!tpu.dma_semaphore, #tpu.memory_space<semaphore_mem>>) src(%arg3 : memref<4608xf32, #tpu.memory_space<hbm>>) dst(%arg10 : memref<4608xf32, #tpu.memory_space<vmem>>)
      tpu.yield
    }) : () -> ()
    "tpu.region"() ({
      %run_scoped3A = tpu.sem_alloc : memref<!tpu.dma_semaphore, #tpu.memory_space<semaphore_mem>>
      tpu.enqueue_dma source(%arg4 : memref<4608xf32, #tpu.memory_space<hbm>>) target(%arg11 : memref<4608xf32, #tpu.memory_space<vmem>>) target_semaphore(%run_scoped3A : memref<!tpu.dma_semaphore, #tpu.memory_space<semaphore_mem>>)
      tpu.wait_dma2 semaphore(%run_scoped3A : memref<!tpu.dma_semaphore, #tpu.memory_space<semaphore_mem>>) src(%arg4 : memref<4608xf32, #tpu.memory_space<hbm>>) dst(%arg11 : memref<4608xf32, #tpu.memory_space<vmem>>)
      tpu.yield
    }) : () -> ()
    %mul3A_1 = arith.constant 1204224 : i32
    %mul3A_2 = arith.muli %add3A, %mul3A_1 : i32
    %dma_start3A = tpu.memref_slice %arg2[%mul3A_2] : memref<38535168xf32, #tpu.memory_space<hbm>> -> memref<25088xf32, #tpu.memory_space<hbm>>
    %dma_start3A_3 = tpu.memref_slice %arg2[%mul3A_2] : memref<38535168xf32, #tpu.memory_space<hbm>> -> memref<25088xf32, #tpu.memory_space<hbm>>
    tpu.enqueue_dma source(%dma_start3A_3 : memref<25088xf32, #tpu.memory_space<hbm>>) target(%arg6 : memref<25088xf32, #tpu.memory_space<vmem>>) target_semaphore(%arg12 : memref<!tpu.dma_semaphore, #tpu.memory_space<semaphore_mem>>)
    %scan3A = arith.constant 0 : i32
    %scan3A_4 = arith.constant 0 : i32
    %scan3A_5 = arith.constant 24 : i32
    %scan3A_6 = arith.addi %scan3A_4, %scan3A_5 : i32
    %scan3A_7 = arith.constant 1 : i32
    %scan3A_8 = scf.for %scan3A_17 = %scan3A_4 to %scan3A_6 step %scan3A_7 iter_args(%scan3A_18 = %scan3A) -> (i32)  : i32 {
      %mul3A_19 = arith.constant 2 : i32
      %mul3A_20 = arith.muli %scan3A_17, %mul3A_19 : i32
      %add3A_21 = arith.constant 0 : i32
      %add3A_22 = arith.addi %mul3A_20, %add3A_21 : i32
      %mul3A_23 = arith.constant 25088 : i32
      %mul3A_24 = arith.muli %add3A_22, %mul3A_23 : i32
      %add3A_25 = arith.addi %mul3A_2, %mul3A_24 : i32
      %mul3A_26 = arith.constant 24 : i32
      %mul3A_27 = arith.muli %add3A, %mul3A_26 : i32
      %mul3A_28 = arith.constant 2 : i32
      %mul3A_29 = arith.muli %mul3A_27, %mul3A_28 : i32
      %add3A_30 = arith.addi %mul3A_29, %add3A_22 : i32
      %jit3A = arith.constant 2 : i32
      %div3A = arith.divsi %add3A_30, %jit3A : i32
      %sign3A = arith.constant 0 : i32
      %sign3A_31 = arith.cmpi sgt, %add3A_30, %sign3A : i32
      %sign3A_32 = arith.extui %sign3A_31 : i1 to i32
      %sign3A_33 = arith.constant 0 : i32
      %sign3A_34 = arith.cmpi slt, %add3A_30, %sign3A_33 : i32
      %sign3A_35 = arith.extui %sign3A_34 : i1 to i32
      %sign3A_36 = arith.subi %sign3A_32, %sign3A_35 : i32
      %sign3A_37 = arith.constant 0 : i32
      %sign3A_38 = arith.cmpi sgt, %jit3A, %sign3A_37 : i32
      %sign3A_39 = arith.extui %sign3A_38 : i1 to i32
      %sign3A_40 = arith.constant 0 : i32
      %sign3A_41 = arith.cmpi slt, %jit3A, %sign3A_40 : i32
      %sign3A_42 = arith.extui %sign3A_41 : i1 to i32
      %sign3A_43 = arith.subi %sign3A_39, %sign3A_42 : i32
      %ne3A = arith.cmpi ne, %sign3A_36, %sign3A_43 : i32
      %rem3A = arith.remsi %add3A_30, %jit3A : i32
      %ne3A_44 = arith.constant 0 : i32
      %ne3A_45 = arith.cmpi ne, %rem3A, %ne3A_44 : i32
      %and3A = arith.andi %ne3A, %ne3A_45 : i1
      %sub3A = arith.constant 1 : i32
      %sub3A_46 = arith.subi %div3A, %sub3A : i32
      %select_n3A = arith.select %and3A, %sub3A_46, %div3A : i32
      %mul3A_47 = arith.constant 6 : i32
      %mul3A_48 = arith.muli %select_n3A, %mul3A_47 : i32
      %dma_wait3A_49 = tpu.memref_slice %arg2[%add3A_25] : memref<38535168xf32, #tpu.memory_space<hbm>> -> memref<25088xf32, #tpu.memory_space<hbm>>
      %dma_wait3A_50 = tpu.memref_slice %arg2[%add3A_25] : memref<38535168xf32, #tpu.memory_space<hbm>> -> memref<25088xf32, #tpu.memory_space<hbm>>
      tpu.wait_dma2 semaphore(%arg12 : memref<!tpu.dma_semaphore, #tpu.memory_space<semaphore_mem>>) src(%dma_wait3A_50 : memref<25088xf32, #tpu.memory_space<hbm>>) dst(%arg6 : memref<25088xf32, #tpu.memory_space<vmem>>)
      %add3A_51 = arith.constant 1 : i32
      %add3A_52 = arith.addi %add3A_22, %add3A_51 : i32
      %lt3A = arith.constant 48 : i32
      %lt3A_53 = arith.cmpi slt, %add3A_52, %lt3A : i32
      %convert_element_type3A = arith.extui %lt3A_53 : i1 to i32
      %cond3A = arith.constant 0 : i32
      %cond3A_54 = arith.cmpi ne, %convert_element_type3A, %cond3A : i32
      scf.if %cond3A_54 {
        %mul3A_121 = arith.constant 25088 : i32
        %mul3A_122 = arith.muli %add3A_52, %mul3A_121 : i32
        %add3A_123 = arith.addi %mul3A_2, %mul3A_122 : i32
        %dma_start3A_124 = tpu.memref_slice %arg2[%add3A_123] : memref<38535168xf32, #tpu.memory_space<hbm>> -> memref<25088xf32, #tpu.memory_space<hbm>>
        %dma_start3A_125 = tpu.memref_slice %arg2[%add3A_123] : memref<38535168xf32, #tpu.memory_space<hbm>> -> memref<25088xf32, #tpu.memory_space<hbm>>
        tpu.enqueue_dma source(%dma_start3A_125 : memref<25088xf32, #tpu.memory_space<hbm>>) target(%arg7 : memref<25088xf32, #tpu.memory_space<vmem>>) target_semaphore(%arg13 : memref<!tpu.dma_semaphore, #tpu.memory_space<semaphore_mem>>)
      } else {
      }
      %ge3A = arith.constant 2 : i32
      %ge3A_55 = arith.cmpi sge, %add3A_22, %ge3A : i32
      %convert_element_type3A_56 = arith.extui %ge3A_55 : i1 to i32
      %cond3A_57 = arith.constant 0 : i32
      %cond3A_58 = arith.cmpi ne, %convert_element_type3A_56, %cond3A_57 : i32
      scf.if %cond3A_58 {
        %sub3A_121 = arith.constant 50176 : i32
        %sub3A_122 = arith.subi %add3A_25, %sub3A_121 : i32
        %dma_wait3A_123 = tpu.memref_slice %arg5[%sub3A_122] : memref<38535168xf32, #tpu.memory_space<hbm>> -> memref<25088xf32, #tpu.memory_space<hbm>>
        %dma_wait3A_124 = tpu.memref_slice %arg5[%sub3A_122] : memref<38535168xf32, #tpu.memory_space<hbm>> -> memref<25088xf32, #tpu.memory_space<hbm>>
        tpu.wait_dma2 semaphore(%arg14 : memref<!tpu.dma_semaphore, #tpu.memory_space<semaphore_mem>>) src(%arg8 : memref<25088xf32, #tpu.memory_space<vmem>>) dst(%dma_wait3A_124 : memref<25088xf32, #tpu.memory_space<hbm>>)
      } else {
      }
      %parallel_loop3A = arith.constant 0 : i32
      %parallel_loop3A_59 = arith.constant 25088 : i32
      %parallel_loop3A_60 = arith.constant 16 : i32
      scf.for %parallel_loop3A_121 = %parallel_loop3A to %parallel_loop3A_59 step %parallel_loop3A_60  : i32 {
        %parallel_loop3A_122 = arith.index_cast %parallel_loop3A_121 : i32 to index
        %parallel_loop3A_123 = tpu.vector_load %arg6[%parallel_loop3A_122] {strides = array<i32>} : memref<25088xf32, #tpu.memory_space<vmem>>, vector<16xf32>,
        %parallel_loop3A_124 = arith.constant 1.200000e+00 : f32
        %parallel_loop3A_125 = vector.broadcast %parallel_loop3A_124 : f32 to vector<16xf32>
        %parallel_loop3A_126 = arith.mulf %parallel_loop3A_123, %parallel_loop3A_125 : vector<16xf32>
        %parallel_loop3A_127 = arith.constant 3.000000e+00 : f32
        %parallel_loop3A_128 = vector.broadcast %parallel_loop3A_127 : f32 to vector<16xf32>
        %parallel_loop3A_129 = arith.addf %parallel_loop3A_126, %parallel_loop3A_128 : vector<16xf32>
        %parallel_loop3A_130 = arith.constant 0.000000e+00 : f32
        %parallel_loop3A_131 = vector.broadcast %parallel_loop3A_130 : f32 to vector<16xf32>
        %parallel_loop3A_132 = arith.maximumf %parallel_loop3A_129, %parallel_loop3A_131 : vector<16xf32>
        %parallel_loop3A_133 = arith.constant 5.994000e+00 : f32
        %parallel_loop3A_134 = vector.broadcast %parallel_loop3A_133 : f32 to vector<16xf32>
        %parallel_loop3A_135 = arith.minimumf %parallel_loop3A_132, %parallel_loop3A_134 : vector<16xf32>
        %parallel_loop3A_136 = arith.fptosi %parallel_loop3A_135 : vector<16xf32> to vector<16xi32>
        %parallel_loop3A_137 = vector.broadcast %mul3A_48 : i32 to vector<16xi32>
        %parallel_loop3A_138 = arith.addi %parallel_loop3A_136, %parallel_loop3A_137 : vector<16xi32>
        %parallel_loop3A_139 = tpu.vector_load_idx %arg10[%parallel_loop3A_138] : memref<4608xf32, #tpu.memory_space<vmem>>[vector<16xi32>], vector<16xf32>,
        %parallel_loop3A_140 = tpu.vector_load_idx %arg11[%parallel_loop3A_138] : memref<4608xf32, #tpu.memory_space<vmem>>[vector<16xi32>], vector<16xf32>,
        %parallel_loop3A_141 = arith.mulf %parallel_loop3A_140, %parallel_loop3A_129 : vector<16xf32>
        %parallel_loop3A_142 = arith.addf %parallel_loop3A_139, %parallel_loop3A_141 : vector<16xf32>
        %parallel_loop3A_143 = arith.index_cast %parallel_loop3A_121 : i32 to index
        %parallel_loop3A_144 = tpu.vector_load %arg8[%parallel_loop3A_143] {strides = array<i32>} : memref<25088xf32, #tpu.memory_space<vmem>>, vector<16xf32>,
        tpu.vector_store %arg8[%parallel_loop3A_143], %parallel_loop3A_142 {strides = array<i32>} : memref<25088xf32, #tpu.memory_space<vmem>>, vector<16xf32>,
      } {sc.loop_unroll_factor = 8 : i64, sc.parallel_access}
      %dma_start3A_61 = tpu.memref_slice %arg5[%add3A_25] : memref<38535168xf32, #tpu.memory_space<hbm>> -> memref<25088xf32, #tpu.memory_space<hbm>>
      %dma_start3A_62 = tpu.memref_slice %arg5[%add3A_25] : memref<38535168xf32, #tpu.memory_space<hbm>> -> memref<25088xf32, #tpu.memory_space<hbm>>
      tpu.enqueue_dma source(%arg8 : memref<25088xf32, #tpu.memory_space<vmem>>) target(%dma_start3A_62 : memref<25088xf32, #tpu.memory_space<hbm>>) target_semaphore(%arg14 : memref<!tpu.dma_semaphore, #tpu.memory_space<semaphore_mem>>)
      %mul3A_63 = arith.constant 2 : i32
      %mul3A_64 = arith.muli %scan3A_17, %mul3A_63 : i32
      %add3A_65 = arith.constant 1 : i32
      %add3A_66 = arith.addi %mul3A_64, %add3A_65 : i32
      %mul3A_67 = arith.constant 25088 : i32
      %mul3A_68 = arith.muli %add3A_66, %mul3A_67 : i32
      %add3A_69 = arith.addi %mul3A_2, %mul3A_68 : i32
      %mul3A_70 = arith.constant 24 : i32
      %mul3A_71 = arith.muli %add3A, %mul3A_70 : i32
      %mul3A_72 = arith.constant 2 : i32
      %mul3A_73 = arith.muli %mul3A_71, %mul3A_72 : i32
      %add3A_74 = arith.addi %mul3A_73, %add3A_66 : i32
      %jit3A_75 = arith.constant 2 : i32
      %div3A_76 = arith.divsi %add3A_74, %jit3A_75 : i32
      %sign3A_77 = arith.constant 0 : i32
      %sign3A_78 = arith.cmpi sgt, %add3A_74, %sign3A_77 : i32
      %sign3A_79 = arith.extui %sign3A_78 : i1 to i32
      %sign3A_80 = arith.constant 0 : i32
      %sign3A_81 = arith.cmpi slt, %add3A_74, %sign3A_80 : i32
      %sign3A_82 = arith.extui %sign3A_81 : i1 to i32
      %sign3A_83 = arith.subi %sign3A_79, %sign3A_82 : i32
      %sign3A_84 = arith.constant 0 : i32
      %sign3A_85 = arith.cmpi sgt, %jit3A_75, %sign3A_84 : i32
      %sign3A_86 = arith.extui %sign3A_85 : i1 to i32
      %sign3A_87 = arith.constant 0 : i32
      %sign3A_88 = arith.cmpi slt, %jit3A_75, %sign3A_87 : i32
      %sign3A_89 = arith.extui %sign3A_88 : i1 to i32
      %sign3A_90 = arith.subi %sign3A_86, %sign3A_89 : i32
      %ne3A_91 = arith.cmpi ne, %sign3A_83, %sign3A_90 : i32
      %rem3A_92 = arith.remsi %add3A_74, %jit3A_75 : i32
      %ne3A_93 = arith.constant 0 : i32
      %ne3A_94 = arith.cmpi ne, %rem3A_92, %ne3A_93 : i32
      %and3A_95 = arith.andi %ne3A_91, %ne3A_94 : i1
      %sub3A_96 = arith.constant 1 : i32
      %sub3A_97 = arith.subi %div3A_76, %sub3A_96 : i32
      %select_n3A_98 = arith.select %and3A_95, %sub3A_97, %div3A_76 : i32
      %mul3A_99 = arith.constant 6 : i32
      %mul3A_100 = arith.muli %select_n3A_98, %mul3A_99 : i32
      %dma_wait3A_101 = tpu.memref_slice %arg2[%add3A_69] : memref<38535168xf32, #tpu.memory_space<hbm>> -> memref<25088xf32, #tpu.memory_space<hbm>>
      %dma_wait3A_102 = tpu.memref_slice %arg2[%add3A_69] : memref<38535168xf32, #tpu.memory_space<hbm>> -> memref<25088xf32, #tpu.memory_space<hbm>>
      tpu.wait_dma2 semaphore(%arg13 : memref<!tpu.dma_semaphore, #tpu.memory_space<semaphore_mem>>) src(%dma_wait3A_102 : memref<25088xf32, #tpu.memory_space<hbm>>) dst(%arg7 : memref<25088xf32, #tpu.memory_space<vmem>>)
      %add3A_103 = arith.constant 1 : i32
      %add3A_104 = arith.addi %add3A_66, %add3A_103 : i32
      %lt3A_105 = arith.constant 48 : i32
      %lt3A_106 = arith.cmpi slt, %add3A_104, %lt3A_105 : i32
      %convert_element_type3A_107 = arith.extui %lt3A_106 : i1 to i32
      %cond3A_108 = arith.constant 0 : i32
      %cond3A_109 = arith.cmpi ne, %convert_element_type3A_107, %cond3A_108 : i32
      scf.if %cond3A_109 {
        %mul3A_121 = arith.constant 25088 : i32
        %mul3A_122 = arith.muli %add3A_104, %mul3A_121 : i32
        %add3A_123 = arith.addi %mul3A_2, %mul3A_122 : i32
        %dma_start3A_124 = tpu.memref_slice %arg2[%add3A_123] : memref<38535168xf32, #tpu.memory_space<hbm>> -> memref<25088xf32, #tpu.memory_space<hbm>>
        %dma_start3A_125 = tpu.memref_slice %arg2[%add3A_123] : memref<38535168xf32, #tpu.memory_space<hbm>> -> memref<25088xf32, #tpu.memory_space<hbm>>
        tpu.enqueue_dma source(%dma_start3A_125 : memref<25088xf32, #tpu.memory_space<hbm>>) target(%arg6 : memref<25088xf32, #tpu.memory_space<vmem>>) target_semaphore(%arg12 : memref<!tpu.dma_semaphore, #tpu.memory_space<semaphore_mem>>)
      } else {
      }
      %ge3A_110 = arith.constant 2 : i32
      %ge3A_111 = arith.cmpi sge, %add3A_66, %ge3A_110 : i32
      %convert_element_type3A_112 = arith.extui %ge3A_111 : i1 to i32
      %cond3A_113 = arith.constant 0 : i32
      %cond3A_114 = arith.cmpi ne, %convert_element_type3A_112, %cond3A_113 : i32
      scf.if %cond3A_114 {
        %sub3A_121 = arith.constant 50176 : i32
        %sub3A_122 = arith.subi %add3A_69, %sub3A_121 : i32
        %dma_wait3A_123 = tpu.memref_slice %arg5[%sub3A_122] : memref<38535168xf32, #tpu.memory_space<hbm>> -> memref<25088xf32, #tpu.memory_space<hbm>>
        %dma_wait3A_124 = tpu.memref_slice %arg5[%sub3A_122] : memref<38535168xf32, #tpu.memory_space<hbm>> -> memref<25088xf32, #tpu.memory_space<hbm>>
        tpu.wait_dma2 semaphore(%arg15 : memref<!tpu.dma_semaphore, #tpu.memory_space<semaphore_mem>>) src(%arg9 : memref<25088xf32, #tpu.memory_space<vmem>>) dst(%dma_wait3A_124 : memref<25088xf32, #tpu.memory_space<hbm>>)
      } else {
      }
      %parallel_loop3A_115 = arith.constant 0 : i32
      %parallel_loop3A_116 = arith.constant 25088 : i32
      %parallel_loop3A_117 = arith.constant 16 : i32
      scf.for %parallel_loop3A_121 = %parallel_loop3A_115 to %parallel_loop3A_116 step %parallel_loop3A_117  : i32 {
        %parallel_loop3A_122 = arith.index_cast %parallel_loop3A_121 : i32 to index
        %parallel_loop3A_123 = tpu.vector_load %arg7[%parallel_loop3A_122] {strides = array<i32>} : memref<25088xf32, #tpu.memory_space<vmem>>, vector<16xf32>,
        %parallel_loop3A_124 = arith.constant 1.200000e+00 : f32
        %parallel_loop3A_125 = vector.broadcast %parallel_loop3A_124 : f32 to vector<16xf32>
        %parallel_loop3A_126 = arith.mulf %parallel_loop3A_123, %parallel_loop3A_125 : vector<16xf32>
        %parallel_loop3A_127 = arith.constant 3.000000e+00 : f32
        %parallel_loop3A_128 = vector.broadcast %parallel_loop3A_127 : f32 to vector<16xf32>
        %parallel_loop3A_129 = arith.addf %parallel_loop3A_126, %parallel_loop3A_128 : vector<16xf32>
        %parallel_loop3A_130 = arith.constant 0.000000e+00 : f32
        %parallel_loop3A_131 = vector.broadcast %parallel_loop3A_130 : f32 to vector<16xf32>
        %parallel_loop3A_132 = arith.maximumf %parallel_loop3A_129, %parallel_loop3A_131 : vector<16xf32>
        %parallel_loop3A_133 = arith.constant 5.994000e+00 : f32
        %parallel_loop3A_134 = vector.broadcast %parallel_loop3A_133 : f32 to vector<16xf32>
        %parallel_loop3A_135 = arith.minimumf %parallel_loop3A_132, %parallel_loop3A_134 : vector<16xf32>
        %parallel_loop3A_136 = arith.fptosi %parallel_loop3A_135 : vector<16xf32> to vector<16xi32>
        %parallel_loop3A_137 = vector.broadcast %mul3A_100 : i32 to vector<16xi32>
        %parallel_loop3A_138 = arith.addi %parallel_loop3A_136, %parallel_loop3A_137 : vector<16xi32>
        %parallel_loop3A_139 = tpu.vector_load_idx %arg10[%parallel_loop3A_138] : memref<4608xf32, #tpu.memory_space<vmem>>[vector<16xi32>], vector<16xf32>,
        %parallel_loop3A_140 = tpu.vector_load_idx %arg11[%parallel_loop3A_138] : memref<4608xf32, #tpu.memory_space<vmem>>[vector<16xi32>], vector<16xf32>,
        %parallel_loop3A_141 = arith.mulf %parallel_loop3A_140, %parallel_loop3A_129 : vector<16xf32>
        %parallel_loop3A_142 = arith.addf %parallel_loop3A_139, %parallel_loop3A_141 : vector<16xf32>
        %parallel_loop3A_143 = arith.index_cast %parallel_loop3A_121 : i32 to index
        %parallel_loop3A_144 = tpu.vector_load %arg9[%parallel_loop3A_143] {strides = array<i32>} : memref<25088xf32, #tpu.memory_space<vmem>>, vector<16xf32>,
        tpu.vector_store %arg9[%parallel_loop3A_143], %parallel_loop3A_142 {strides = array<i32>} : memref<25088xf32, #tpu.memory_space<vmem>>, vector<16xf32>,
      } {sc.loop_unroll_factor = 8 : i64, sc.parallel_access}
      %dma_start3A_118 = tpu.memref_slice %arg5[%add3A_69] : memref<38535168xf32, #tpu.memory_space<hbm>> -> memref<25088xf32, #tpu.memory_space<hbm>>
      %dma_start3A_119 = tpu.memref_slice %arg5[%add3A_69] : memref<38535168xf32, #tpu.memory_space<hbm>> -> memref<25088xf32, #tpu.memory_space<hbm>>
      tpu.enqueue_dma source(%arg9 : memref<25088xf32, #tpu.memory_space<vmem>>) target(%dma_start3A_119 : memref<25088xf32, #tpu.memory_space<hbm>>) target_semaphore(%arg15 : memref<!tpu.dma_semaphore, #tpu.memory_space<semaphore_mem>>)
      %scan3A_120 = arith.constant 0 : i32
      scf.yield %scan3A_120 : i32
    }
    %scan3A_9 = arith.constant 24 : i32
    %add3A_10 = arith.constant 1154048 : i32
    %add3A_11 = arith.addi %mul3A_2, %add3A_10 : i32
    %add3A_12 = arith.constant 1179136 : i32
    %add3A_13 = arith.addi %mul3A_2, %add3A_12 : i32
    %dma_wait3A = tpu.memref_slice %arg5[%add3A_11] : memref<38535168xf32, #tpu.memory_space<hbm>> -> memref<25088xf32, #tpu.memory_space<hbm>>
    %dma_wait3A_14 = tpu.memref_slice %arg5[%add3A_11] : memref<38535168xf32, #tpu.memory_space<hbm>> -> memref<25088xf32, #tpu.memory_space<hbm>>
    tpu.wait_dma2 semaphore(%arg14 : memref<!tpu.dma_semaphore, #tpu.memory_space<semaphore_mem>>) src(%arg8 : memref<25088xf32, #tpu.memory_space<vmem>>) dst(%dma_wait3A_14 : memref<25088xf32, #tpu.memory_space<hbm>>)
    %dma_wait3A_15 = tpu.memref_slice %arg5[%add3A_13] : memref<38535168xf32, #tpu.memory_space<hbm>> -> memref<25088xf32, #tpu.memory_space<hbm>>
    %dma_wait3A_16 = tpu.memref_slice %arg5[%add3A_13] : memref<38535168xf32, #tpu.memory_space<hbm>> -> memref<25088xf32, #tpu.memory_space<hbm>>
    tpu.wait_dma2 semaphore(%arg15 : memref<!tpu.dma_semaphore, #tpu.memory_space<semaphore_mem>>) src(%arg9 : memref<25088xf32, #tpu.memory_space<vmem>>) dst(%dma_wait3A_16 : memref<25088xf32, #tpu.memory_space<hbm>>)
    return
  }
}

</mosaic_0001>

<sc_bundles>
// kernel: kernel.3.cloned.1.call-start
scs
__scs_entry_jumppad:
0x0: {  	(pc) =	sbr.rel $0x88, $3  }
0x1: {  	(tag) =	ssettag $0x0;
	lr =	simm.s32 $0x1  }
0x2: {  	[smem:$0x3F9F] =	sst lr;
	_ =	strace $0xD0000000  }
0x3: {  	_ = 	snop  }
0x4: {  	_ = 	snop  }
0x5: {  	_ = 	snop  }
0x6: {  	_ = 	snop  }
0x7: {  	_ = 	snop  }
__scs_overlays_trampoline_lowered:
0x8: {  	[smem:$0x3FAE] =	sst s0  }
0x9: {  	[smem:$0x3FAF] =	sst s1  }
0xa: {  	[smem:$0x3FB0] =	sst s2  }
0xb: {  	[smem:$0x3FB1] =	sst s3  }
0xc: {  	[smem:$0x3FB2] =	sst s4  }
0xd: {  	[smem:$0x3FB3] =	sst s5  }
0xe: {  	[smem:$0x3FB4] =	sst s6  }
0xf: {  	[smem:$0x3FB5] =	sst s7  }
0x10: {  	[smem:$0x3FB6] =	sst s8  }
0x11: {  	[smem:$0x3FB7] =	sst s9;
	s0 =	simm.s32 @!p0 $0x0  }
0x12: {  	s1 =	sld [smem:$0x3F9D];
	s0 =	simm.s32 @p0 $0x1  }
0x13: {  	[smem:$0x3FB8] =	sst s0;
	s0 =	simm.s32 @!p1 $0x0  }
0x14: {  	s2 =	sld [smem:$0x3F9C];
	s0 =	simm.s32 @p1 $0x1  }
0x15: {  	[smem:$0x3FB9] =	sst s0;
	s0 =	simm.s32 @!p2 $0x0  }
0x16: {  	s3 =	sld [smem:$0x3FDB];
	s0 =	simm.s32 @p2 $0x1  }
0x17: {  	s4 =	simm.s32 $0x1BF5;
	[smem:$0x3FBB] =	sst s0  }
0x18: {  	s0 =	sld [smem:$0x3F9E];
	_ =	swait.ge [sflag:s4], $0x0  }
0x19: {  	s7 =	sld [smem:$0x3F9F]  }
0x1a: {  	s8 =	sadd.s32 $0xFFFFE003, lr  }
0x1b: {  	s9 =	sadd.s32 $0xFFFFFEF7, lr;
	s5 =	simm.s32 $0xFFFFFFFF;
	p2 =	slt.u32 s8, $0xFFFFF086  }
0x1c: {  	p1 =	slt.u32 s9, $0xF7A;
	s5 =	simm.s32 @!p2 $0x0  }
0x1d: {  	s5 =	simm.s32 @p1 $0x1;
	p0 =	seq.s32 s7, s2  }
0x1e: {  	s7 =	smul.u32 @!p0 $0xF7A, s2;
	p2 =	seq.s32 @!p0 s5, $0x0  }
0x1f: {  	s9 =	smul.u32 $0xF7A, s1;
	s8 =	simm.s32 @!p0 $0x1BF5;
	p2 =	por !p2, p0  }
0x20: {  	[sflag:s8] =	ssyncset.s32 @!p0 $0xFFFFF086;
	s6 =	sadd.s32 @!p0 s3, s7;
	s7 =	simm.s32 @!p0 $0x108  }
0x21: {  	s3 =	sadd.s32 s3, s9;
	s6 =	sadd.s32 @!p0 $0x88, s6;
	s7 =	simm.s32 @p2 $0x1082  }
0x22: {  	[simem:s7], [sflag:s8] =	dma.local @!p0 [hbm:s6], $0xF7A  }
0x23: {  	s9 =	sor.u32 $0xD0000000, s2;
	s6 =	simm.s32 $0x108;
	_ =	swait.ge @!p0 [sflag:s8], $0x0  }
0x24: {  	s3 =	sadd.s32 $0x88, s3;
	s6 =	simm.s32 @!p1 $0x1082;
	[sflag:s4] =	ssyncset.s32 $0xFFFFF086  }
0x25: {  	[simem:s6], [sflag:s4] =	dma.local [hbm:s3], $0xF7A  }
0x26: {  	[smem:$0x3F9F] =	sst s1;
	(tag) =	ssettag s2;
	_ =	strace s9  }
0x27: {  	s1 =	sld [smem:$0x3FAF]  }
0x28: {  	s2 =	sld [smem:$0x3FB0]  }
0x29: {  	s4 =	sld [smem:$0x3FB2]  }
0x2a: {  	p0 =	seq.s32 s5, $0x0;
	s5 =	sld [smem:$0x3FB3]  }
0x2b: {  	s6 =	sld [smem:$0x3FB4]  }
0x2c: {  	s7 =	sld [smem:$0x3FB5]  }
0x2d: {  	s3 =	simm.s32 $0x108;
	s8 =	sld [smem:$0x3FB6]  }
0x2e: {  	s3 =	simm.s32 @!p0 $0x1082;
	s9 =	sld [smem:$0x3FB7]  }
0x2f: {  	lr =	sadd.s32 s0, s3;
	s0 =	sld [smem:$0x3FAE]  }
0x30: {  	s3 =	sld [smem:$0x3FB1]  }
0x31: {  	[smem:$0x3FBA] =	sst s10  }
0x32: {  	s10 =	sld [smem:$0x3FB8];
	_ =	sdelay $0x3  }
0x33: {  	p0 =	seq.s32 s10, $0x1;
	s10 =	sld [smem:$0x3FBA];
	_ =	sdelay $0x3  }
0x34: {  	[smem:$0x3FBA] =	sst s10  }
0x35: {  	s10 =	sld [smem:$0x3FB9];
	_ =	sdelay $0x3  }
0x36: {  	p1 =	seq.s32 s10, $0x1;
	s10 =	sld [smem:$0x3FBA];
	_ =	sdelay $0x3  }
0x37: {  	[smem:$0x3FBA] =	sst s10  }
0x38: {  	s10 =	sld [smem:$0x3FBB]  }
0x39: {  	_ = 	snop;
	(pc) =	sbr.ind lr, $3  }
0x3a: {  	_ = 	snop  }
0x3b: {  	_ = 	snop  }
0x3c: {  	p2 =	seq.s32 s10, $0x1;
	s10 =	sld [smem:$0x3FBA]  }
0x3d: {  	_ =	shalt  }
0x3e: {  	_ =	shalt  }
0x3f: {  	_ =	shalt  }
0x40: {  	_ =	shalt  }
0x41: {  	_ =	shalt  }
0x42: {  	_ =	shalt  }
0x43: {  	_ =	shalt  }
0x44: {  	_ =	shalt  }
0x45: {  	_ =	shalt  }
0x46: {  	_ =	shalt  }
0x47: {  	_ =	shalt  }
0x48: {  	_ =	shalt  }
0x49: {  	_ =	shalt  }
0x4a: {  	_ =	shalt  }
0x4b: {  	_ =	shalt  }
0x4c: {  	_ =	shalt  }
0x4d: {  	_ =	shalt  }
0x4e: {  	_ =	shalt  }
0x4f: {  	_ =	shalt  }
0x50: {  	_ =	shalt  }
0x51: {  	_ =	shalt  }
0x52: {  	_ =	shalt  }
0x53: {  	_ =	shalt  }
0x54: {  	_ =	shalt  }
0x55: {  	_ =	shalt  }
0x56: {  	_ =	shalt  }
0x57: {  	_ =	shalt  }
0x58: {  	_ =	shalt  }
0x59: {  	_ =	shalt  }
0x5a: {  	_ =	shalt  }
0x5b: {  	_ =	shalt  }
0x5c: {  	_ =	shalt  }
0x5d: {  	_ =	shalt  }
0x5e: {  	_ =	shalt  }
0x5f: {  	_ =	shalt  }
0x60: {  	_ =	shalt  }
0x61: {  	_ =	shalt  }
0x62: {  	_ =	shalt  }
0x63: {  	_ =	shalt  }
0x64: {  	_ =	shalt  }
0x65: {  	_ =	shalt  }
0x66: {  	_ =	shalt  }
0x67: {  	_ =	shalt  }
0x68: {  	_ =	shalt  }
0x69: {  	_ =	shalt  }
0x6a: {  	_ =	shalt  }
0x6b: {  	_ =	shalt  }
0x6c: {  	_ =	shalt  }
0x6d: {  	_ =	shalt  }
0x6e: {  	_ =	shalt  }
0x6f: {  	_ =	shalt  }
0x70: {  	_ =	shalt  }
0x71: {  	_ =	shalt  }
0x72: {  	_ =	shalt  }
0x73: {  	_ =	shalt  }
0x74: {  	_ =	shalt  }
0x75: {  	_ =	shalt  }
0x76: {  	_ =	shalt  }
0x77: {  	_ =	shalt  }
0x78: {  	_ =	shalt  }
0x79: {  	_ =	shalt  }
0x7a: {  	_ =	shalt  }
0x7b: {  	_ =	shalt  }
0x7c: {  	_ =	shalt  }
0x7d: {  	_ =	shalt  }
0x7e: {  	_ =	shalt  }
0x7f: {  	_ =	shalt  }
0x80: {  	_ =	shalt  }
0x81: {  	_ =	shalt  }
0x82: {  	_ =	shalt  }
0x83: {  	_ =	shalt  }
0x84: {  	_ =	shalt  }
0x85: {  	_ =	shalt  }
0x86: {  	_ =	shalt  }
0x87: {  	_ =	shalt  }
.Lfunc_end0:
.L_simem_size_0:
called_computation_lowered:
.L_overlay_start_0:
0x88: {  	s2 =	sld [smem:$0x3FD9]  }
0x89: {  	s3 =	sld [smem:$0x3FFE];
	_ =	sdelay $0x1  }
0x8a: {  	s1 =	srdreg.scid  }
0x8b: {  	s0 =	sand.u32 $0x1, s1  }
0x8c: {  	s17 =	sshll.u32 s0, $0xA;
	s2 =	sadd.s32 s3, s2  }
0x8d: {  	s2 =	sadd.s32 s2, s17  }
0x8e: {  	[smem:$0x3FC6] =	sst s2  }
0x8f: {  	_ = 	snop  }
0x90: {  	s2 =	sld [smem:$0x3FD0];
	(tm) =	ssettm $0x1  }
0x91: {  	s18 =	sld [smem:$0x3FFB];
	_ =	sdelay $0x3  }
0x92: {  	_ =	strace s18  }
0x93: {  	s3 =	sld [smem:$0x3FFC];
	_ =	sdelay $0x3  }
0x94: {  	_ =	strace s3  }
0x95: {  	s3 =	sld [smem:$0x3FFD];
	_ =	sdelay $0x3  }
0x96: {  	_ =	strace s3  }
0x97: {  	_ =	strace $0x8FFFFFFF  }
0x98: {  	s19 =	sld [smem:$0x3FDB];
	_ =	sdelay $0x1  }
0x99: {  	s4 =	simm.s32 $_scs_section_size  }
0x9a: {  	s5 =	simm.s32 $_size__tile_overlayer_lowered;
	s6 =	simm.s32 $_tile_overlayer_lowered  }
0x9b: {  	s22 =	simm.s32 $0x1BFF;
	s21 =	sshll.u32 s6, $0x1;
	s3 =	sadd.s32 s4, s19  }
0x9c: {  	s7 =	simm.s32 $0x0;
	s20 =	sshll.u32 s5, $0x1;
	s5 =	sadd.s32 s21, s3  }
0x9d: {  	[timem:s7], [sflag:s22] =	dma.local [hbm:s5], s20  }
0x9e: {  	_ =	swait.ge [sflag:s22], s20  }
0x9f: {  	s4 =	ssub.s32 $0x0, s20;
	[sflag:s22] =	ssyncset.done $0x0  }
0xa0: {  	[sflag:s22] =	ssyncadd.s32 s4;
	_ =	sdelay $0x1  }
0xa1: {  	s23 =	simm.s32 $0x1B8B  }
0xa2: {  	_ =	swait.ge [sflag:s23], $0x1  }
0xa3: {  	[sflag:s23] =	ssyncset.done $0x0  }
0xa4: {  	s25 =	simm.s32 $0x1B8E;
	s24 =	sld [smem:$0x3FFE];
	[sflag:s23] =	ssyncadd.s32 $0xFFFFFFFF  }
0xa5: {  	s26 =	simm.s32 $execute0_lowered;
	[smem:$0x3FD2] =	sst s25  }
0xa6: {  	s5 =	sshll.u32 s26, $0x1;
	_ =	strace $0x80000046;
	[dreg:$0x1] =	wrdreg $0xFFFFFFFF  }
0xa7: {  	s28 =	simm.s32 $_size_execute0_lowered;
	s3 =	sadd.s32 s3, s5;
	[dreg:$0x0] =	wrdreg $0x0  }
0xa8: {  	s5 =	sshll.u32 s28, $0x1;
	[dreg:$0x2] =	wrdreg s3  }
0xa9: {  	[dreg:$0x3] =	wrdreg s5  }
0xaa: {  	[dreg:$0x4] =	wrdreg $0xC0  }
0xab: {  	_ =	task [dreg:s7], $0x5FFFF  }
0xac: {  	[dreg:$0x1] =	wrdreg $0xFFFFFFFF  }
0xad: {  	[dreg:$0x0] =	wrdreg $0x60  }
0xae: {  	[dreg:$0x2] =	wrdreg s2  }
0xaf: {  	[dreg:$0x3] =	wrdreg s24  }
0xb0: {  	[dreg:$0x4] =	wrdreg $0x9  }
0xb1: {  	_ =	task.clear_ibuf [dreg:s7], $0x5FFFF;
	_ =	strace $0x90000046  }
0xb2: {  	s29 =	simm.s32 $0x9;
	_ =	strace $0x80000048  }
0xb3: {  	_ =	swait.ge [sflag:s29], $0x1  }
0xb4: {  	[sflag:s29] =	ssyncadd.s32 $0xFFFFFFFF  }
0xb5: {  	_ =	strace $0x90000048  }
0xb6: {  	_ =	sfence  }
0xb7: {  	s30 =	sld [smem:$0x0];
	_ =	sdelay $0x2  }
0xb8: {  	s31 =	sshll.u32 s1, $0xD;
	s1 =	sshrl.u32 s1, $0x2  }
0xb9: {  	s3 =	sand.u32 $0x4000, s31;
	s1 =	sadd.s32 s1, s30  }
0xba: {  	s0 =	sor.u32 s3, s0;
	s1 =	sshll.u32 s1, $0x11  }
0xbb: {  	s0 =	sor.u32 s1, s0  }
0xbc: {  	s0 =	sadd.s32 $0x8F2B, s0  }
0xbd: {  	[sflag:s0] =	ssyncadd.remote.s32 $0x1  }
0xbe: {  	_ =	sfence.sel $0xFFFF  }
0xbf: {  	[dreg:$0x0] =	wrdreg $0xFFFFFFFF;
	(pc) =	sbr.abs _section_cstart, $3  }
0xc0: {  	[dreg:$0x1] =	wrdreg $0xFFFFFFFF  }
0xc1: {  	_ =	task.clear_ibuf [dreg:s7], $0x2FFFF;
	_ =	strace $0x9FFFFFFF  }
0xc2: {  	(tm) =	ssettm $0x7FFFFFFF  }
0xc3: {  	_ =	shalt  }
tec
execute0_lowered:
.L_overlay_start_1:
0x0: {  	(tag) =	ssettag $0x1  }
0x1: {  	s2 =	rddreg [dreg:$0x0];
	s1 =	srdreg.scid  }
0x2: {  	s0 =	stileid.u32;
	s7 =	rddreg [dreg:$0x1]  }
0x3: {  	s3 =	simm.s32 $0x0;
	s13 =	simm.s32 $0x18800;
	s14 =	simm.s32 $0x5  }
0x4: {  	s15 =	simm.s32 $0x19A00;
	s16 =	simm.s32 $0x1;
	s17 =	simm.s32 $0x6200  }
0x5: {  	s18 =	simm.s32 $0xC400;
	s19 =	simm.s32 $0x2;
	s20 =	simm.s32 $0x12600  }
0x6: {  	s21 =	simm.s32 $0x3;
	s22 =	simm.s32 $0x4;
	s23 =	simm.s32 $0x0  }
0x7: {  	s1 =	sand.u32 $0x1, s1;
	s4 =	sshll.u32 s0, $0x1;
	[smem:$0x7FF] =	sst s3  }
0x8: {  	s5 =	sadd.s32 $0xA00, s7;
	s9 =	sor.u32 s1, s4;
	s1 =	ssub.s32 $0x2, s1  }
0x9: {  	s6 =	sadd.s32 $0x600, s7;
	s4 =	smul.u32 $0x126000, s9;
	s8 =	sshrl.u32 s1, $0x1  }
0xa: {  	s7 =	sadd.s32 $0xE00, s7;
	_ =	strace $0x80000047;
	s1 =	ssub.s32 s1, s8  }
0xb: {  	s9 =	smul.u32 $0x18, s9;
	s10 =	sshrl.u32 s4, $0x3;
	s11 =	smax.u32 s1, $0x1  }
0xc: {  	s12 =	sadd.s32 $0x6200, s4;
	s8 =	sadd.s32 s2, s10;
	s10 =	sadd.s32 $0xC400, s4  }
.LBB2_1:
0xd: {  	[tilespmem:s13], [sflag:$0x5] =	stream.linear.gather [hbm4b:s5+s3], $0x1200, $0x38;
	[tilespmem:$0x1AC00] =	vst v63  }
0xe: {  	_ =	swait.ge [sflag:s14], $0x1200  }
0xf: {  	[sflag:s14] =	ssyncset.done $0x0  }
0x10: {  	[sflag:s14] =	ssyncadd.s32 $0xFFFFEE00  }
0x11: {  	[tilespmem:s15], [sflag:$0x5] =	stream.linear.gather [hbm4b:s6+s3], $0x1200, $0x38;
	[tilespmem:$0x1AC00] =	vst v63  }
0x12: {  	_ =	swait.ge [sflag:s14], $0x1200  }
0x13: {  	[sflag:s14] =	ssyncset.done $0x0  }
0x14: {  	s24 =	simm.s32 $0x0;
	[sflag:s14] =	ssyncadd.s32 $0xFFFFEE00  }
0x15: {  	[tilespmem:s3], [sflag:$0x1] =	stream.linear.gather [hbm4b:s8+s3], $0x6200, $0x38;
	[tilespmem:$0x1AC00] =	vst v63  }
.LBB2_2:
0x16: {  	s26 =	smul.u32 $0xC400, s24;
	_ =	sdelay $0x1  }
0x17: {  	_ =	swait.ge [sflag:s16], $0x6200;
	s1 =	sadd.s32 s12, s26  }
0x18: {  	[sflag:s16] =	ssyncset.done $0x0;
	s25 =	sshrl.u32 s1, $0x3  }
0x19: {  	p0 =	seq.s32 s24, $0x0;
	[sflag:s16] =	ssyncadd.s32 $0xFFFF9E00;
	s1 =	sadd.s32 s2, s25  }
0x1a: {  	[tilespmem:s17], [sflag:$0x2] =	stream.linear.gather [hbm4b:s1+s3], $0x6200, $0x38;
	[tilespmem:$0x1AC00] =	vst v63  }
0x1b: {  	s1 =	simm.s32 @!p0 $0x3  }
0x1c: {  	_ =	swait.ge @!p0 [sflag:s1], $0x6200  }
0x1d: {  	[sflag:s1] =	ssyncset.done @!p0 $0x0  }
0x1e: {  	[sflag:s1] =	ssyncadd.s32 @!p0 $0xFFFF9E00;
	s1 =	simm.s32 $0x40  }
0x1f: {  	v0 =	vld [tilespmem:s1+$0x0];
	_ =	sdelay $0x1  }
0x20: {  	v1 =	vld [tilespmem:s1+$0x20]  }
0x21: {  	v2 =	vld [tilespmem:s1+$0xFFFFFFC0]  }
0x22: {  	v3 =	vld [tilespmem:s1+$0x30]  }
0x23: {  	v8 =	vld [tilespmem:s1+$0xFFFFFFE0];
	v0 =	vmul.f32 $1.200000050e+00, v0;
	_ =	sdelay $0x1  }
0x24: {  	v6 =	vld [tilespmem:s1+$0xFFFFFFF0];
	v5 =	vadd.f32 $3.000000000e+00, v0;
	v0 =	vmul.f32 $1.200000050e+00, v1  }
0x25: {  	s28 =	sadd.s32 s9, s24;
	v2 =	vmul.f32 $1.200000050e+00, v2;
	v1 =	vld [tilespmem:s1+$0x10]  }
0x26: {  	s28 =	smul.u32 $0x6, s28;
	v3 =	vmul.f32 $1.200000050e+00, v3;
	v4 =	vmax.f32 v5, $0.0e+00;
	v11 =	vadd.f32 $3.000000000e+00, v0  }
0x27: {  	v8 =	vmul.f32 $1.200000050e+00, v8;
	v19 =	vadd.f32 $3.000000000e+00, v2;
	v0 =	vmin.f32 v4, $5.993999960e+00  }
0x28: {  	v4 =	vld [tilespmem:s1+$0xFFFFFFD0];
	v2 =	vtrunc.f32 v0;
	v7 =	vmax.f32 v11, $0.0e+00;
	v0 =	vmov s28  }
0x29: {  	v9 =	vcvt.f32.s32 v2;
	v7 =	vmin.f32 v7, $5.993999960e+00;
	v2 =	vadd.f32 $3.000000000e+00, v3  }
0x2a: {  	v3 =	vmax.f32 v19, $0.0e+00;
	v12 =	vmul.f32 $1.200000050e+00, v1;
	v1 =	vmul.f32 $1.200000050e+00, v6  }
0x2b: {  	s1 =	simm.s32 $0xC0;
	v7 =	vtrunc.f32 v7;
	v3 =	vmin.f32 v3, $5.993999960e+00;
	v9 =	vadd.s32 v9, v0  }
0x2c: {  	v16 =	vld [tilespmem:s1+$0x10];
	v7 =	vcvt.f32.s32 v7;
	v10 =	vmax.f32 v2, $0.0e+00;
	v13 =	vtrunc.f32 v3  }
0x2d: {  	v14 =	vld [tilespmem:s1+$0x20];
	v1 =	vadd.f32 $3.000000000e+00, v1;
	v6 =	vmin.f32 v10, $5.993999960e+00;
	v10 =	vmul.f32 $1.200000050e+00, v4  }
0x2e: {  	v22 =	vld [tilespmem:s1+$0xFFFFFFC0];
	v4 =	vadd.f32 $3.000000000e+00, v12;
	v13 =	vcvt.f32.s32 v13;
	v7 =	vadd.s32 v7, v0  }
0x2f: {  	v24 =	vld [tilespmem:s1+$0x30];
	v12 =	vtrunc.f32 v6;
	v6 =	vadd.f32 $3.000000000e+00, v8;
	v3 =	vadd.f32 $3.000000000e+00, v10  }
0x30: {  	v8 =	vmax.f32 v1, $0.0e+00;
	v10 =	vld [tilespmem:s1+$0x0];
	v17 =	vcvt.f32.s32 v12;
	v18 =	vmax.f32 v4, $0.0e+00  }
0x31: {  	v13 =	vadd.s32 v13, v0;
	v18 =	vmin.f32 v18, $5.993999960e+00;
	v15 =	vld.idx.msk [tilespmem:v9+s13+$0x0], $0xffff;
	v12 =	vmax.f32 v3, $0.0e+00  }
0x32: {  	v20 =	vmax.f32 v6, $0.0e+00;
	v9 =	vld.idx.msk [tilespmem:v9+s15+$0x0], $0xffff;
	v18 =	vtrunc.f32 v18;
	v12 =	vmin.f32 v12, $5.993999960e+00  }
0x33: {  	v20 =	vmin.f32 v20, $5.993999960e+00;
	v18 =	vcvt.f32.s32 v18;
	v21 =	vld.idx.msk [tilespmem:v7+s13+$0x0], $0xffff;
	v12 =	vtrunc.f32 v12  }
0x34: {  	v25 =	vadd.s32 v17, v0;
	v23 =	vld.idx.msk [tilespmem:v7+s15+$0x0], $0xffff;
	v7 =	vmin.f32 v8, $5.993999960e+00;
	v8 =	vcvt.f32.s32 v12  }
0x35: {  	v7 =	vtrunc.f32 v7;
	v10 =	vmul.f32 $1.200000050e+00, v10;
	v18 =	vadd.s32 v18, v0  }
0x36: {  	v27 =	vld [tilespmem:s1+$0xFFFFFFE0];
	v12 =	vadd.s32 v8, v0;
	v8 =	vtrunc.f32 v20;
	v20 =	vcvt.f32.s32 v7  }
0x37: {  	v31 =	vld.idx.msk [tilespmem:v13+s15+$0x0], $0xffff;
	v7 =	vadd.f32 $3.000000000e+00, v10;
	v10 =	vmul.f32 v5, v9;
	v8 =	vcvt.f32.s32 v8  }
0x38: {  	v5 =	vmul.f32 $1.200000050e+00, v14;
	v14 =	vld.idx.msk [tilespmem:v13+s13+$0x0], $0xffff;
	v13 =	vmul.f32 $1.200000050e+00, v24  }
0x39: {  	v29 =	vld [tilespmem:s1+$0xFFFFFFF0];
	v16 =	vmul.f32 $1.200000050e+00, v16;
	v30 =	vadd.s32 v8, v0;
	v8 =	vmul.f32 $1.200000050e+00, v22  }
0x3a: {  	v9 =	vmax.f32 v7, $0.0e+00;
	v32 =	vadd.f32 v10, v15;
	v10 =	vadd.f32 $3.000000000e+00, v13;
	v13 =	vld.idx.msk [tilespmem:v25+s13+$0x0], $0xffff  }
0x3b: {  	v5 =	vadd.f32 $3.000000000e+00, v5;
	v22 =	vld [tilespmem:s1+$0xFFFFFFD0];
	v9 =	vmin.f32 v9, $5.993999960e+00;
	v8 =	vadd.f32 $3.000000000e+00, v8  }
0x3c: {  	v17 =	vadd.s32 v20, v0;
	v11 =	vmul.f32 v11, v23;
	v15 =	vld.idx.msk [tilespmem:v18+s15+$0x0], $0xffff;
	v20 =	vtrunc.f32 v9  }
0x3d: {  	v9 =	vld.idx.msk [tilespmem:v18+s13+$0x0], $0xffff;
	v33 =	vcvt.f32.s32 v20;
	v20 =	vmax.f32 v5, $0.0e+00;
	v18 =	vmax.f32 v8, $0.0e+00  }
0x3e: {  	v24 =	vmax.f32 v10, $0.0e+00;
	v23 =	vmin.f32 v18, $5.993999960e+00;
	v18 =	vmin.f32 v20, $5.993999960e+00;
	v20 =	vld.idx.msk [tilespmem:v25+s15+$0x0], $0xffff  }
0x3f: {  	v29 =	vmul.f32 $1.200000050e+00, v29;
	v26 =	vmin.f32 v24, $5.993999960e+00;
	v24 =	vld.idx.msk [tilespmem:v30+s15+$0x0], $0xffff;
	v25 =	vtrunc.f32 v18  }
0x40: {  	v11 =	vadd.f32 v11, v21;
	v21 =	vld.idx.msk [tilespmem:v30+s13+$0x0], $0xffff;
	v28 =	vtrunc.f32 v23;
	v23 =	vcvt.f32.s32 v25  }
0x41: {  	s30 =	simm.s32 $0xC440;
	s31 =	simm.s32 $0x80;
	v30 =	vmul.f32 $1.200000050e+00, v27;
	v27 =	vmul.f32 v19, v31;
	v19 =	vld.idx.msk [tilespmem:v17+s15+$0x0], $0xffff  }
0x42: {  	s29 =	simm.s32 $0xC440;
	s28 =	sadd.s32 s4, s26;
	v16 =	vadd.f32 $3.000000000e+00, v16;
	s1 =	simm.s32 $0x140;
	[tilespmem:s30+$0x0] =	vst v32;
	v18 =	vld.idx.msk [tilespmem:v12+s15+$0x0], $0xffff;
	v25 =	vadd.s32 v33, v0;
	v23 =	vadd.s32 v23, v0  }
.LBB2_3:
0x43: {  	v31 =	vld [tilespmem:s1+$0x10];
	s31 =	sadd.s32 $0x80, s31;
	v22 =	vmul.f32 $1.200000050e+00, v22;
	v29 =	vadd.f32 $3.000000000e+00, v29;
	v26 =	vtrunc.f32 v26;
	s30 =	sadd.s32 $0x80, s30  }
0x44: {  	v28 =	vcvt.f32.s32 v28;
	v32 =	vld [tilespmem:s1+$0x20];
	p0 =	slt.u32 s31, $0x6180;
	v30 =	vadd.f32 $3.000000000e+00, v30;
	v14 =	vadd.f32 v27, v14  }
0x45: {  	v26 =	vcvt.f32.s32 v26;
	v22 =	vadd.f32 $3.000000000e+00, v22;
	v27 =	vmax.f32 v29, $0.0e+00;
	v33 =	vld.idx.msk [tilespmem:v12+s13+$0x0], $0xffff  }
0x46: {  	v12 =	vmax.f32 v30, $0.0e+00;
	v27 =	vmin.f32 v27, $5.993999960e+00;
	[tilespmem:s29+$0xFFFFFFC0] =	vst v14;
	v34 =	vld.idx.msk [tilespmem:v17+s13+$0x0], $0xffff;
	v14 =	vmul.f32 v2, v20;
	v2 =	vmovc v10  }
0x47: {  	v24 =	vmul.f32 v6, v24;
	v20 =	vmax.f32 v16, $0.0e+00;
	v6 =	vmovc v30;
	v10 =	vld [tilespmem:s1+$0x0];
	v17 =	vmax.f32 v22, $0.0e+00  }
0x48: {  	v18 =	vmul.f32 v3, v18;
	v27 =	vtrunc.f32 v27;
	v3 =	vmovc v22;
	v17 =	vmin.f32 v17, $5.993999960e+00;
	v30 =	vld.idx.msk [tilespmem:v25+s13+$0x0], $0xffff  }
0x49: {  	v15 =	vmul.f32 v4, v15;
	v4 =	vmovc v16;
	v20 =	vmin.f32 v20, $5.993999960e+00;
	v17 =	vtrunc.f32 v17;
	v22 =	vld.idx.msk [tilespmem:v25+s15+$0x0], $0xffff  }
0x4a: {  	v21 =	vadd.f32 v24, v21;
	v16 =	vcvt.f32.s32 v17;
	v17 =	vmin.f32 v12, $5.993999960e+00;
	v35 =	vld.idx.msk [tilespmem:v23+s13+$0x0], $0xffff  }
0x4b: {  	v24 =	vadd.s32 v28, v0;
	v19 =	vmul.f32 v1, v19;
	v1 =	vmovc v29;
	v20 =	vtrunc.f32 v20;
	v23 =	vld.idx.msk [tilespmem:v23+s15+$0x0], $0xffff  }
0x4c: {  	v13 =	vadd.f32 v14, v13;
	v25 =	vld [tilespmem:s1+$0xFFFFFFC0];
	v12 =	vadd.s32 v16, v0;
	v16 =	vcvt.f32.s32 v20;
	[tilespmem:s29+$0xFFFFFFE0] =	vst v21  }
0x4d: {  	v9 =	vadd.f32 v15, v9;
	v14 =	vtrunc.f32 v17;
	v10 =	vmul.f32 $1.200000050e+00, v10;
	v20 =	vld [tilespmem:s1+$0x30]  }
0x4e: {  	v17 =	vcvt.f32.s32 v27;
	v15 =	vcvt.f32.s32 v14;
	v36 =	vld [tilespmem:s1+$0xFFFFFFE0];
	v16 =	vadd.s32 v16, v0;
	[tilespmem:s29+$0x30] =	vst v13  }
0x4f: {  	v26 =	vadd.s32 v26, v0;
	v13 =	vmul.f32 v7, v22;
	v7 =	vadd.f32 $3.000000000e+00, v10;
	v21 =	vld [tilespmem:s1+$0xFFFFFFF0];
	[tilespmem:s29+$0x10] =	vst v9  }
0x50: {  	v17 =	vadd.s32 v17, v0;
	v27 =	vadd.s32 v15, v0;
	v9 =	vmul.f32 $1.200000050e+00, v32;
	v14 =	vld.idx.msk [tilespmem:v24+s13+$0x0], $0xffff;
	[tilespmem:s29+$0x20] =	vst v11  }
0x51: {  	v11 =	vmax.f32 v7, $0.0e+00;
	v13 =	vadd.f32 v13, v30;
	v10 =	vmul.f32 $1.200000050e+00, v25;
	v32 =	vld.idx.msk [tilespmem:v24+s15+$0x0], $0xffff  }
0x52: {  	v11 =	vmin.f32 v11, $5.993999960e+00;
	v24 =	vadd.f32 $3.000000000e+00, v9;
	v22 =	vld [tilespmem:s1+$0xFFFFFFD0];
	v15 =	vmul.f32 $1.200000050e+00, v20  }
0x53: {  	v37 =	vadd.f32 $3.000000000e+00, v10;
	v10 =	vtrunc.f32 v11;
	[tilespmem:s30+$0x0] =	vst v13;
	v9 =	vld.idx.msk [tilespmem:v16+s13+$0x0], $0xffff;
	v11 =	vadd.f32 v18, v33  }
0x54: {  	v25 =	vcvt.f32.s32 v10;
	v10 =	vadd.f32 $3.000000000e+00, v15;
	v15 =	vld.idx.msk [tilespmem:v16+s15+$0x0], $0xffff;
	v16 =	vadd.f32 v19, v34  }
0x55: {  	v23 =	vmul.f32 v5, v23;
	v5 =	vmovc v24;
	v19 =	vmax.f32 v24, $0.0e+00;
	v18 =	vmax.f32 v37, $0.0e+00;
	v13 =	vld.idx.msk [tilespmem:v26+s13+$0x0], $0xffff;
	[tilespmem:s29+$0xFFFFFFD0] =	vst v11  }
.Ltmp0:
0x56: {  	v11 =	vmin.f32 v18, $5.993999960e+00;
	v18 =	vmin.f32 v19, $5.993999960e+00;
	v19 =	vmax.f32 v10, $0.0e+00;
	v20 =	vld.idx.msk [tilespmem:v26+s15+$0x0], $0xffff;
	[tilespmem:s29+$0xFFFFFFF0] =	vst v16;
	s29 =	smov.u32 s30;
	(pc) =	sbr.rel @p0 .LBB2_3-.Ltmp0, $4  }
0x57: {  	v16 =	vmul.f32 $1.200000050e+00, v31;
	v24 =	vtrunc.f32 v18;
	v26 =	vmin.f32 v19, $5.993999960e+00;
	v18 =	vld.idx.msk [tilespmem:v12+s15+$0x0], $0xffff  }
0x58: {  	v25 =	vadd.s32 v25, v0;
	v28 =	vtrunc.f32 v11;
	v19 =	vcvt.f32.s32 v24;
	v24 =	vld.idx.msk [tilespmem:v27+s15+$0x0], $0xffff  }
0x59: {  	v29 =	vmul.f32 $1.200000050e+00, v21;
	v11 =	vadd.f32 v23, v35;
	v16 =	vadd.f32 $3.000000000e+00, v16;
	v21 =	vld.idx.msk [tilespmem:v27+s13+$0x0], $0xffff  }
0x5a: {  	s1 =	sadd.s32 $0x80, s1;
	v30 =	vmul.f32 $1.200000050e+00, v36;
	v27 =	vmul.f32 v8, v32;
	v8 =	vmovc v37;
	v23 =	vadd.s32 v19, v0;
	v19 =	vld.idx.msk [tilespmem:v17+s15+$0x0], $0xffff  }
0x5b: {  	_ = 	snop  }
0x5c: {  	v28 =	vcvt.f32.s32 v28;
	v22 =	vmul.f32 $1.200000050e+00, v22  }
0x5d: {  	v31 =	vmax.f32 v16, $0.0e+00;
	v26 =	vtrunc.f32 v26;
	v2 =	vmul.f32 v2, v20  }
0x5e: {  	v4 =	vmul.f32 v4, v15;
	v30 =	vadd.f32 $3.000000000e+00, v30;
	v31 =	vmin.f32 v31, $5.993999960e+00  }
0x5f: {  	v12 =	vld.idx.msk [tilespmem:v12+s13+$0x0], $0xffff;
	v29 =	vadd.f32 $3.000000000e+00, v29;
	v26 =	vcvt.f32.s32 v26;
	v31 =	vtrunc.f32 v31  }
0x60: {  	v33 =	vld.idx.msk [tilespmem:v25+s13+$0x0], $0xffff;
	v28 =	vadd.s32 v28, v0;
	v22 =	vadd.f32 $3.000000000e+00, v22;
	v32 =	vmax.f32 v30, $0.0e+00  }
0x61: {  	v25 =	vld.idx.msk [tilespmem:v25+s15+$0x0], $0xffff;
	v34 =	vmax.f32 v29, $0.0e+00;
	v6 =	vmul.f32 v6, v24;
	v32 =	vmin.f32 v32, $5.993999960e+00  }
0x62: {  	v17 =	vld.idx.msk [tilespmem:v17+s13+$0x0], $0xffff;
	v31 =	vcvt.f32.s32 v31;
	v26 =	vadd.s32 v26, v0;
	v32 =	vtrunc.f32 v32  }
0x63: {  	v36 =	vld.idx.msk [tilespmem:v23+s13+$0x0], $0xffff;
	v34 =	vmin.f32 v34, $5.993999960e+00;
	v35 =	vmax.f32 v22, $0.0e+00;
	v32 =	vcvt.f32.s32 v32  }
0x64: {  	v23 =	vld.idx.msk [tilespmem:v23+s15+$0x0], $0xffff;
	v34 =	vtrunc.f32 v34;
	v6 =	vadd.f32 v6, v21;
	v31 =	vadd.s32 v31, v0  }
0x65: {  	v35 =	vmin.f32 v35, $5.993999960e+00;
	v20 =	vcvt.f32.s32 v34;
	v62 =	vld.idx.msk [tilespmem:v28+s13+$0x0], $0xffff;
	v32 =	vadd.s32 v32, v0  }
0x66: {  	v4 =	vadd.f32 v4, v9;
	v24 =	vtrunc.f32 v35;
	[tilespmem:s29+$0xFFFFFFE0] =	vst v6;
	v6 =	vmul.f32 v7, v25;
	v28 =	vld.idx.msk [tilespmem:v28+s15+$0x0], $0xffff  }
0x67: {  	v14 =	vadd.f32 v27, v14;
	v2 =	vadd.f32 v2, v13;
	v24 =	vcvt.f32.s32 v24;
	v7 =	vld.idx.msk [tilespmem:v26+s15+$0x0], $0xffff  }
0x68: {  	[tilespmem:s29+$0x10] =	vst v4;
	v13 =	vadd.s32 v20, v0;
	v4 =	vadd.f32 v6, v33;
	v6 =	vld.idx.msk [tilespmem:v26+s13+$0x0], $0xffff  }
0x69: {  	v15 =	vadd.s32 v24, v0;
	v27 =	vld.idx.msk [tilespmem:v31+s13+$0x0], $0xffff  }
0x6a: {  	[tilespmem:s29+$0xFFFFFFC0] =	vst v14;
	v14 =	vld.idx.msk [tilespmem:v32+s15+$0x0], $0xffff  }
0x6b: {  	v1 =	vmul.f32 v1, v19;
	v21 =	vld.idx.msk [tilespmem:v31+s15+$0x0], $0xffff  }
0x6c: {  	s1 =	sadd.s32 $0x80, s30;
	v3 =	vmul.f32 v3, v18;
	[tilespmem:s29+$0x30] =	vst v2;
	v2 =	vld.idx.msk [tilespmem:v32+s13+$0x0], $0xffff  }
0x6d: {  	v5 =	vmul.f32 v5, v23;
	v1 =	vadd.f32 v1, v17;
	[tilespmem:s1+$0x0] =	vst v4;
	v4 =	vld.idx.msk [tilespmem:v13+s15+$0x0], $0xffff  }
0x6e: {  	[tilespmem:s29+$0x20] =	vst v11;
	v3 =	vadd.f32 v3, v12;
	v8 =	vmul.f32 v8, v28;
	v9 =	vld.idx.msk [tilespmem:v15+s15+$0x0], $0xffff  }
0x6f: {  	v5 =	vadd.f32 v5, v36;
	[tilespmem:s29+$0xFFFFFFF0] =	vst v1;
	v1 =	vld.idx.msk [tilespmem:v13+s13+$0x0], $0xffff;
	v11 =	vmul.f32 v30, v14  }
0x70: {  	[tilespmem:s29+$0xFFFFFFD0] =	vst v3;
	v7 =	vmul.f32 v10, v7;
	v3 =	vadd.f32 v8, v62;
	v8 =	vld.idx.msk [tilespmem:v15+s13+$0x0], $0xffff  }
0x71: {  	[tilespmem:s1+$0x20] =	vst v5;
	v10 =	vmul.f32 v16, v21;
	v2 =	vadd.f32 v11, v2  }
0x72: {  	[tilespmem:s1+$0xFFFFFFC0] =	vst v3;
	v3 =	vadd.f32 v7, v6;
	v4 =	vmul.f32 v29, v4  }
0x73: {  	v6 =	vmul.f32 v22, v9;
	[tilespmem:s1+$0xFFFFFFE0] =	vst v2;
	v2 =	vadd.f32 v10, v27  }
0x74: {  	[tilespmem:s1+$0x30] =	vst v3;
	v1 =	vadd.f32 v4, v1  }
0x75: {  	[tilespmem:s1+$0x10] =	vst v2;
	v2 =	vadd.f32 v6, v8  }
0x76: {  	s28 =	sshrl.u32 s28, $0x3;
	[tilespmem:s1+$0xFFFFFFF0] =	vst v1  }
0x77: {  	p0 =	seq.s32 s24, $0x17;
	s31 =	sadd.s32 s7, s28;
	[tilespmem:s1+$0xFFFFFFD0] =	vst v2  }
0x78: {  	[hbm4b:s31+s3] =	stream.linear.scatter [tilespmem:s18], [sflag:$0x3], $0x6200, $0x38;
	[tilespmem:$0x1AC00] =	vst v63  }
0x79: {  	s1 =	sadd.s32 @!p0 s26, s10;
	_ =	swait.ge [sflag:s19], $0x6200  }
0x7a: {  	p1 =	seq.s32 @!p0 s24, $0x0;
	s1 =	sshrl.u32 @!p0 s1, $0x3;
	[sflag:s19] =	ssyncset.done $0x0  }
0x7b: {  	s26 =	simm.s32 @!p0 $0x0;
	s1 =	sadd.s32 @!p0 s2, s1;
	[sflag:s19] =	ssyncadd.s32 $0xFFFF9E00  }
0x7c: {  	[tilespmem:s26], [sflag:$0x1] =	stream.linear.gather @!p0 [hbm4b:s1+s26], $0x6200, $0x38;
	[tilespmem:$0x1AC00] =	vst v63  }
0x7d: {  	p0 =	por p0, !p1  }
0x7e: {  	_ =	swait.ge @p0 [sflag:s22], $0x6200  }
0x7f: {  	[sflag:s22] =	ssyncset.done @p0 $0x0  }
0x80: {  	s30 =	simm.s32 $0x6240;
	[sflag:s22] =	ssyncadd.s32 @p0 $0xFFFF9E00  }
0x81: {  	v1 =	vld [tilespmem:s30+$0x0]  }
0x82: {  	v2 =	vld [tilespmem:s30+$0x20]  }
0x83: {  	v3 =	vld [tilespmem:s30+$0xFFFFFFC0]  }
0x84: {  	v4 =	vld [tilespmem:s30+$0x30]  }
0x85: {  	v6 =	vld [tilespmem:s30+$0x10]  }
0x86: {  	s31 =	simm.s32 $0x62C0;
	v8 =	vld [tilespmem:s30+$0xFFFFFFE0]  }
0x87: {  	v14 =	vld [tilespmem:s31+$0x0];
	v1 =	vmul.f32 $1.200000050e+00, v1;
	_ =	sdelay $0x1  }
0x88: {  	v5 =	vadd.f32 $3.000000000e+00, v1;
	v1 =	vmul.f32 $1.200000050e+00, v2  }
0x89: {  	v16 =	vld [tilespmem:s31+$0x10];
	v4 =	vmul.f32 $1.200000050e+00, v4;
	v6 =	vmul.f32 $1.200000050e+00, v6  }
0x8a: {  	v2 =	vmul.f32 $1.200000050e+00, v3;
	v3 =	vmax.f32 v5, $0.0e+00;
	v11 =	vadd.f32 $3.000000000e+00, v1  }
0x8b: {  	v8 =	vmul.f32 $1.200000050e+00, v8;
	v14 =	vmul.f32 $1.200000050e+00, v14;
	v1 =	vld [tilespmem:s30+$0xFFFFFFF0];
	v3 =	vmin.f32 v3, $5.993999960e+00  }
0x8c: {  	v7 =	vld [tilespmem:s30+$0xFFFFFFD0];
	v19 =	vadd.f32 $3.000000000e+00, v2;
	v2 =	vtrunc.f32 v3;
	v3 =	vmax.f32 v11, $0.0e+00  }
0x8d: {  	v9 =	vcvt.f32.s32 v2;
	v3 =	vmin.f32 v3, $5.993999960e+00;
	v2 =	vadd.f32 $3.000000000e+00, v4  }
0x8e: {  	v16 =	vmul.f32 $1.200000050e+00, v16;
	v4 =	vmax.f32 v19, $0.0e+00;
	v3 =	vtrunc.f32 v3  }
0x8f: {  	v4 =	vmin.f32 v4, $5.993999960e+00;
	v3 =	vcvt.f32.s32 v3;
	v10 =	vmax.f32 v2, $0.0e+00  }
0x90: {  	v9 =	vadd.s32 v9, v0;
	v1 =	vmul.f32 $1.200000050e+00, v1;
	v10 =	vmin.f32 v10, $5.993999960e+00  }
0x91: {  	v12 =	vadd.s32 v3, v0;
	v3 =	vmul.f32 $1.200000050e+00, v7;
	v7 =	vtrunc.f32 v4  }
0x92: {  	v13 =	vld [tilespmem:s31+$0x20];
	v1 =	vadd.f32 $3.000000000e+00, v1;
	v4 =	vadd.f32 $3.000000000e+00, v6;
	v10 =	vtrunc.f32 v10  }
0x93: {  	v23 =	vld [tilespmem:s31+$0x30];
	v6 =	vadd.f32 $3.000000000e+00, v8;
	v7 =	vcvt.f32.s32 v7;
	v10 =	vcvt.f32.s32 v10  }
0x94: {  	v27 =	vld [tilespmem:s31+$0xFFFFFFE0];
	v3 =	vadd.f32 $3.000000000e+00, v3;
	v8 =	vmax.f32 v1, $0.0e+00;
	v18 =	vmax.f32 v4, $0.0e+00  }
0x95: {  	v20 =	vmax.f32 v6, $0.0e+00;
	v15 =	vld.idx.msk [tilespmem:v9+s13+$0x0], $0xffff;
	v18 =	vmin.f32 v18, $5.993999960e+00;
	v22 =	vadd.s32 v7, v0  }
0x96: {  	v9 =	vld.idx.msk [tilespmem:v9+s15+$0x0], $0xffff;
	v8 =	vmin.f32 v8, $5.993999960e+00;
	v17 =	vmax.f32 v3, $0.0e+00;
	v7 =	vtrunc.f32 v18  }
0x97: {  	v20 =	vmin.f32 v20, $5.993999960e+00;
	v17 =	vmin.f32 v17, $5.993999960e+00;
	v21 =	vld.idx.msk [tilespmem:v12+s13+$0x0], $0xffff;
	v7 =	vcvt.f32.s32 v7  }
0x98: {  	v26 =	vadd.s32 v10, v0;
	v8 =	vtrunc.f32 v8;
	v18 =	vld.idx.msk [tilespmem:v12+s15+$0x0], $0xffff;
	v17 =	vtrunc.f32 v17  }
0x99: {  	v20 =	vtrunc.f32 v20;
	v12 =	vcvt.f32.s32 v17;
	v17 =	vld [tilespmem:s31+$0xFFFFFFC0];
	v24 =	vadd.s32 v7, v0  }
0x9a: {  	v29 =	vld [tilespmem:s31+$0xFFFFFFF0];
	v20 =	vcvt.f32.s32 v20;
	v8 =	vcvt.f32.s32 v8;
	v7 =	vadd.f32 $3.000000000e+00, v14  }
0x9b: {  	v25 =	vmul.f32 v5, v9;
	v5 =	vmul.f32 $1.200000050e+00, v13;
	v14 =	vld.idx.msk [tilespmem:v22+s13+$0x0], $0xffff  }
0x9c: {  	v30 =	vadd.s32 v20, v0;
	v31 =	vld.idx.msk [tilespmem:v22+s15+$0x0], $0xffff;
	v13 =	vmul.f32 $1.200000050e+00, v23;
	v10 =	vmax.f32 v7, $0.0e+00  }
0x9d: {  	v22 =	vld [tilespmem:s31+$0xFFFFFFD0];
	v12 =	vadd.s32 v12, v0;
	v10 =	vmin.f32 v10, $5.993999960e+00;
	v5 =	vadd.f32 $3.000000000e+00, v5  }
0x9e: {  	v23 =	vadd.f32 v25, v15;
	v10 =	vtrunc.f32 v10;
	v9 =	vmul.f32 $1.200000050e+00, v17;
	v15 =	vld.idx.msk [tilespmem:v24+s15+$0x0], $0xffff  }
0x9f: {  	v11 =	vmul.f32 v11, v18;
	v25 =	vcvt.f32.s32 v10;
	v10 =	vadd.f32 $3.000000000e+00, v13;
	v13 =	vld.idx.msk [tilespmem:v26+s13+$0x0], $0xffff  }
0xa0: {  	v17 =	vadd.s32 v8, v0;
	v8 =	vadd.f32 $3.000000000e+00, v9;
	v9 =	vld.idx.msk [tilespmem:v24+s13+$0x0], $0xffff;
	v24 =	vmax.f32 v5, $0.0e+00  }
0xa1: {  	v29 =	vmul.f32 $1.200000050e+00, v29;
	v11 =	vadd.f32 v11, v21;
	v21 =	vld.idx.msk [tilespmem:v30+s13+$0x0], $0xffff;
	v18 =	vmin.f32 v24, $5.993999960e+00  }
0xa2: {  	v16 =	vadd.f32 $3.000000000e+00, v16;
	v20 =	vmax.f32 v8, $0.0e+00;
	v63 =	vtrunc.f32 v18;
	v18 =	vld.idx.msk [tilespmem:v12+s15+$0x0], $0xffff  }
0xa3: {  	v24 =	vmax.f32 v10, $0.0e+00;
	v28 =	vmin.f32 v20, $5.993999960e+00;
	v20 =	vld.idx.msk [tilespmem:v26+s15+$0x0], $0xffff;
	v32 =	vcvt.f32.s32 v63  }
0xa4: {  	s28 =	simm.s32 $0x12640;
	v25 =	vadd.s32 v25, v0;
	v26 =	vmin.f32 v24, $5.993999960e+00;
	v24 =	vld.idx.msk [tilespmem:v30+s15+$0x0], $0xffff;
	v30 =	vmul.f32 $1.200000050e+00, v27  }
0xa5: {  	s29 =	simm.s32 $0x80;
	s1 =	simm.s32 $0x6340;
	s26 =	simm.s32 $0x12640;
	[tilespmem:s28+$0x0] =	vst v23;
	v27 =	vmul.f32 v19, v31;
	v19 =	vld.idx.msk [tilespmem:v17+s15+$0x0], $0xffff;
	v28 =	vtrunc.f32 v28;
	v23 =	vadd.s32 v32, v0  }
.LBB2_5:
0xa6: {  	v31 =	vld [tilespmem:s1+$0x10];
	s29 =	sadd.s32 $0x80, s29;
	v22 =	vmul.f32 $1.200000050e+00, v22;
	v29 =	vadd.f32 $3.000000000e+00, v29;
	v26 =	vtrunc.f32 v26;
	s28 =	sadd.s32 $0x80, s28  }
0xa7: {  	v28 =	vcvt.f32.s32 v28;
	v32 =	vld [tilespmem:s1+$0x20];
	p0 =	slt.u32 s29, $0x6180;
	v30 =	vadd.f32 $3.000000000e+00, v30;
	v14 =	vadd.f32 v27, v14  }
0xa8: {  	v26 =	vcvt.f32.s32 v26;
	v22 =	vadd.f32 $3.000000000e+00, v22;
	v27 =	vmax.f32 v29, $0.0e+00;
	v33 =	vld.idx.msk [tilespmem:v12+s13+$0x0], $0xffff  }
0xa9: {  	v12 =	vmax.f32 v30, $0.0e+00;
	v27 =	vmin.f32 v27, $5.993999960e+00;
	[tilespmem:s26+$0xFFFFFFC0] =	vst v14;
	v34 =	vld.idx.msk [tilespmem:v17+s13+$0x0], $0xffff;
	v14 =	vmul.f32 v2, v20;
	v2 =	vmovc v10  }
0xaa: {  	v24 =	vmul.f32 v6, v24;
	v20 =	vmax.f32 v16, $0.0e+00;
	v6 =	vmovc v30;
	v10 =	vld [tilespmem:s1+$0x0];
	v17 =	vmax.f32 v22, $0.0e+00  }
0xab: {  	v18 =	vmul.f32 v3, v18;
	v27 =	vtrunc.f32 v27;
	v3 =	vmovc v22;
	v17 =	vmin.f32 v17, $5.993999960e+00;
	v30 =	vld.idx.msk [tilespmem:v25+s13+$0x0], $0xffff  }
0xac: {  	v15 =	vmul.f32 v4, v15;
	v4 =	vmovc v16;
	v20 =	vmin.f32 v20, $5.993999960e+00;
	v17 =	vtrunc.f32 v17;
	v22 =	vld.idx.msk [tilespmem:v25+s15+$0x0], $0xffff  }
0xad: {  	v21 =	vadd.f32 v24, v21;
	v16 =	vcvt.f32.s32 v17;
	v17 =	vmin.f32 v12, $5.993999960e+00;
	v35 =	vld.idx.msk [tilespmem:v23+s13+$0x0], $0xffff  }
0xae: {  	v24 =	vadd.s32 v28, v0;
	v19 =	vmul.f32 v1, v19;
	v1 =	vmovc v29;
	v20 =	vtrunc.f32 v20;
	v23 =	vld.idx.msk [tilespmem:v23+s15+$0x0], $0xffff  }
0xaf: {  	v13 =	vadd.f32 v14, v13;
	v25 =	vld [tilespmem:s1+$0xFFFFFFC0];
	v12 =	vadd.s32 v16, v0;
	v16 =	vcvt.f32.s32 v20;
	[tilespmem:s26+$0xFFFFFFE0] =	vst v21  }
0xb0: {  	v9 =	vadd.f32 v15, v9;
	v14 =	vtrunc.f32 v17;
	v10 =	vmul.f32 $1.200000050e+00, v10;
	v20 =	vld [tilespmem:s1+$0x30]  }
0xb1: {  	v17 =	vcvt.f32.s32 v27;
	v15 =	vcvt.f32.s32 v14;
	v36 =	vld [tilespmem:s1+$0xFFFFFFE0];
	v16 =	vadd.s32 v16, v0;
	[tilespmem:s26+$0x30] =	vst v13  }
0xb2: {  	v26 =	vadd.s32 v26, v0;
	v13 =	vmul.f32 v7, v22;
	v7 =	vadd.f32 $3.000000000e+00, v10;
	v21 =	vld [tilespmem:s1+$0xFFFFFFF0];
	[tilespmem:s26+$0x10] =	vst v9  }
0xb3: {  	v17 =	vadd.s32 v17, v0;
	v27 =	vadd.s32 v15, v0;
	v9 =	vmul.f32 $1.200000050e+00, v32;
	v14 =	vld.idx.msk [tilespmem:v24+s13+$0x0], $0xffff;
	[tilespmem:s26+$0x20] =	vst v11  }
0xb4: {  	v11 =	vmax.f32 v7, $0.0e+00;
	v13 =	vadd.f32 v13, v30;
	v10 =	vmul.f32 $1.200000050e+00, v25;
	v32 =	vld.idx.msk [tilespmem:v24+s15+$0x0], $0xffff  }
0xb5: {  	v11 =	vmin.f32 v11, $5.993999960e+00;
	v24 =	vadd.f32 $3.000000000e+00, v9;
	v22 =	vld [tilespmem:s1+$0xFFFFFFD0];
	v15 =	vmul.f32 $1.200000050e+00, v20  }
0xb6: {  	v37 =	vadd.f32 $3.000000000e+00, v10;
	v10 =	vtrunc.f32 v11;
	[tilespmem:s28+$0x0] =	vst v13;
	v9 =	vld.idx.msk [tilespmem:v16+s13+$0x0], $0xffff;
	v11 =	vadd.f32 v18, v33  }
0xb7: {  	v25 =	vcvt.f32.s32 v10;
	v10 =	vadd.f32 $3.000000000e+00, v15;
	v15 =	vld.idx.msk [tilespmem:v16+s15+$0x0], $0xffff;
	v16 =	vadd.f32 v19, v34  }
0xb8: {  	v23 =	vmul.f32 v5, v23;
	v5 =	vmovc v24;
	v19 =	vmax.f32 v24, $0.0e+00;
	v18 =	vmax.f32 v37, $0.0e+00;
	v13 =	vld.idx.msk [tilespmem:v26+s13+$0x0], $0xffff;
	[tilespmem:s26+$0xFFFFFFD0] =	vst v11  }
.Ltmp1:
0xb9: {  	v11 =	vmin.f32 v18, $5.993999960e+00;
	v18 =	vmin.f32 v19, $5.993999960e+00;
	v19 =	vmax.f32 v10, $0.0e+00;
	v20 =	vld.idx.msk [tilespmem:v26+s15+$0x0], $0xffff;
	[tilespmem:s26+$0xFFFFFFF0] =	vst v16;
	s26 =	smov.u32 s28;
	(pc) =	sbr.rel @p0 .LBB2_5-.Ltmp1, $4  }
0xba: {  	v16 =	vmul.f32 $1.200000050e+00, v31;
	v24 =	vtrunc.f32 v18;
	v26 =	vmin.f32 v19, $5.993999960e+00;
	v18 =	vld.idx.msk [tilespmem:v12+s15+$0x0], $0xffff  }
0xbb: {  	v25 =	vadd.s32 v25, v0;
	v28 =	vtrunc.f32 v11;
	v19 =	vcvt.f32.s32 v24;
	v24 =	vld.idx.msk [tilespmem:v27+s15+$0x0], $0xffff  }
0xbc: {  	v29 =	vmul.f32 $1.200000050e+00, v21;
	v11 =	vadd.f32 v23, v35;
	v16 =	vadd.f32 $3.000000000e+00, v16;
	v21 =	vld.idx.msk [tilespmem:v27+s13+$0x0], $0xffff  }
0xbd: {  	s1 =	sadd.s32 $0x80, s1;
	v30 =	vmul.f32 $1.200000050e+00, v36;
	v27 =	vmul.f32 v8, v32;
	v8 =	vmovc v37;
	v23 =	vadd.s32 v19, v0;
	v19 =	vld.idx.msk [tilespmem:v17+s15+$0x0], $0xffff  }
0xbe: {  	_ =	sdelay $0x1  }
0xbf: {  	v31 =	vmax.f32 v16, $0.0e+00  }
0xc0: {  	v28 =	vcvt.f32.s32 v28;
	v22 =	vmul.f32 $1.200000050e+00, v22;
	v29 =	vadd.f32 $3.000000000e+00, v29  }
0xc1: {  	v12 =	vld.idx.msk [tilespmem:v12+s13+$0x0], $0xffff;
	v26 =	vtrunc.f32 v26;
	v30 =	vadd.f32 $3.000000000e+00, v30;
	v31 =	vmin.f32 v31, $5.993999960e+00  }
0xc2: {  	v17 =	vld.idx.msk [tilespmem:v17+s13+$0x0], $0xffff;
	v26 =	vcvt.f32.s32 v26;
	v31 =	vtrunc.f32 v31;
	v28 =	vadd.s32 v28, v0  }
0xc3: {  	v33 =	vld.idx.msk [tilespmem:v25+s13+$0x0], $0xffff;
	v22 =	vadd.f32 $3.000000000e+00, v22;
	v34 =	vmax.f32 v29, $0.0e+00;
	v32 =	vmax.f32 v30, $0.0e+00  }
0xc4: {  	v63 =	vld.idx.msk [tilespmem:v25+s15+$0x0], $0xffff;
	v31 =	vcvt.f32.s32 v31;
	v34 =	vmin.f32 v34, $5.993999960e+00;
	v26 =	vadd.s32 v26, v0  }
0xc5: {  	v36 =	vld.idx.msk [tilespmem:v23+s13+$0x0], $0xffff;
	v32 =	vmin.f32 v32, $5.993999960e+00;
	v34 =	vtrunc.f32 v34  }
0xc6: {  	v40 =	vld.idx.msk [tilespmem:v23+s15+$0x0], $0xffff;
	v35 =	vmax.f32 v22, $0.0e+00;
	v31 =	vadd.s32 v31, v0;
	v43 =	vcvt.f32.s32 v34  }
0xc7: {  	v2 =	vmul.f32 v2, v20;
	v32 =	vtrunc.f32 v32;
	v35 =	vmin.f32 v35, $5.993999960e+00;
	v42 =	vld.idx.msk [tilespmem:v28+s13+$0x0], $0xffff  }
0xc8: {  	v32 =	vcvt.f32.s32 v32;
	v41 =	vtrunc.f32 v35;
	v28 =	vld.idx.msk [tilespmem:v28+s15+$0x0], $0xffff;
	v47 =	vadd.s32 v43, v0  }
0xc9: {  	v6 =	vmul.f32 v6, v24;
	v24 =	vcvt.f32.s32 v41;
	v50 =	vld.idx.msk [tilespmem:v26+s15+$0x0], $0xffff  }
0xca: {  	v4 =	vmul.f32 v4, v15;
	v14 =	vadd.f32 v27, v14;
	v32 =	vadd.s32 v32, v0;
	v53 =	vld.idx.msk [tilespmem:v26+s13+$0x0], $0xffff  }
0xcb: {  	[tilespmem:s26+$0x20] =	vst v11;
	v2 =	vadd.f32 v2, v13;
	v45 =	vadd.s32 v24, v0;
	v44 =	vld.idx.msk [tilespmem:v31+s13+$0x0], $0xffff  }
0xcc: {  	v3 =	vmul.f32 v3, v18;
	v4 =	vadd.f32 v4, v9;
	[tilespmem:s26+$0xFFFFFFC0] =	vst v14;
	v46 =	vld.idx.msk [tilespmem:v31+s15+$0x0], $0xffff  }
0xcd: {  	v6 =	vadd.f32 v6, v21;
	[tilespmem:s26+$0x30] =	vst v2;
	v1 =	vmul.f32 v1, v19;
	v55 =	vld.idx.msk [tilespmem:v47+s15+$0x0], $0xffff  }
0xce: {  	[tilespmem:s26+$0x10] =	vst v4;
	v49 =	vmul.f32 v7, v63;
	v3 =	vadd.f32 v3, v12;
	v0 =	vld.idx.msk [tilespmem:v47+s13+$0x0], $0xffff  }
0xcf: {  	v5 =	vmul.f32 v5, v40;
	[tilespmem:s26+$0xFFFFFFE0] =	vst v6;
	v1 =	vadd.f32 v1, v17;
	v48 =	vld.idx.msk [tilespmem:v32+s15+$0x0], $0xffff  }
0xd0: {  	v52 =	vadd.f32 v49, v33;
	[tilespmem:s26+$0xFFFFFFD0] =	vst v3;
	v8 =	vmul.f32 v8, v28;
	v54 =	vld.idx.msk [tilespmem:v45+s15+$0x0], $0xffff  }
0xd1: {  	s1 =	sadd.s32 $0x80, s28;
	v62 =	vadd.f32 v5, v36;
	[tilespmem:s26+$0xFFFFFFF0] =	vst v1;
	v51 =	vld.idx.msk [tilespmem:v32+s13+$0x0], $0xffff;
	v7 =	vmul.f32 v10, v50  }
0xd2: {  	[tilespmem:s1+$0x0] =	vst v52;
	v57 =	vadd.f32 v8, v42;
	v58 =	vld.idx.msk [tilespmem:v45+s13+$0x0], $0xffff;
	v59 =	vmul.f32 v16, v46  }
0xd3: {  	[tilespmem:s1+$0x20] =	vst v62;
	v60 =	vadd.f32 v7, v53;
	v4 =	vmul.f32 v29, v55  }
0xd4: {  	s24 =	sadd.s32 $0x1, s24;
	[tilespmem:s1+$0xFFFFFFC0] =	vst v57;
	v1 =	vadd.f32 v59, v44;
	v56 =	vmul.f32 v30, v48  }
0xd5: {  	p0 =	sne.s32 s24, $0x18;
	[tilespmem:s1+$0x30] =	vst v60;
	v61 =	vmul.f32 v22, v54;
	v0 =	vadd.f32 v4, v0  }
.Ltmp2:
0xd6: {  	[tilespmem:s1+$0x10] =	vst v1;
	v2 =	vadd.f32 v56, v51;
	(pc) =	sbr.rel @p0 .LBB2_2-.Ltmp2, $4  }
0xd7: {  	v63 =	vadd.f32 v61, v58;
	[tilespmem:s1+$0xFFFFFFF0] =	vst v0  }
0xd8: {  	[tilespmem:s1+$0xFFFFFFE0] =	vst v2  }
0xd9: {  	s31 =	sadd.s32 s7, s25;
	[tilespmem:s1+$0xFFFFFFD0] =	vst v63  }
0xda: {  	[hbm4b:s31+s3] =	stream.linear.scatter [tilespmem:s20], [sflag:$0x4], $0x6200, $0x38;
	[tilespmem:$0x1AC00] =	vst v63  }
0xdb: {  	s23 =	sadd.s32 $0x1, s23  }
0xdc: {  	_ =	swait.ge [sflag:s21], $0x6200;
	p0 =	sne.s32 s23, s11  }
.Ltmp3:
0xdd: {  	[sflag:s21] =	ssyncset.done $0x0;
	(pc) =	sbr.rel @p0 .LBB2_1-.Ltmp3, $4  }
0xde: {  	[sflag:s21] =	ssyncadd.s32 $0xFFFF9E00  }
0xdf: {  	_ =	swait.ge [sflag:s22], $0x6200  }
0xe0: {  	[sflag:s22] =	ssyncset.done $0x0  }
0xe1: {  	[sflag:s22] =	ssyncadd.s32 $0xFFFF9E00  }
0xe2: {  	_ =	sfence.sel $0x180000  }
0xe3: {  	[bflag:$0x0] =	sbarrier.arrive $0xFFFF  }
0xe4: {  	_ =	strace $0x90000047  }
0xe5: {  	[bflag:$0x2] =	sbarrier.arrive $0xFFFF  }
0xe6: {  	p0 =	sne.s32 s0, $0x0;
	s0 =	rddreg [dreg:$0x2]  }
0xe7: {  	s0 =	sadd.s32 @!p0 $0x100000, s0  }
0xe8: {  	[sflag:s0] =	ssyncadd.tile.s32 @!p0 $0x1;
	_ =	shalt  }
.Lfunc_end2:
_tile_overlayer_lowered:
.L_overlay_start_2:
0xe9: {  	(tag) =	ssettag $0x2  }
0xea: {  	s0 =	rddreg [dreg:$0x0];
	s2 =	stileid.u32  }
0xeb: {  	s1 =	rddreg [dreg:$0x1];
	p0 =	sne.s32 s2, $0x0  }
0xec: {  	s3 =	rddreg [dreg:$0x2];
	[bflag:$0x3] =	sbarrier.arrive $0xFFFF;
	s2 =	simm.s32 @!p0 $0x1C05  }
0xed: {  	[timem:s3], [sflag:s2] =	dma.local @!p0 [hbm:s0], s1  }
0xee: {  	s0 =	simm.s32 @!p0 $0x5  }
0xef: {  	_ =	swait.ge @!p0 [sflag:s0], s1  }
0xf0: {  	s1 =	ssub.s32 @!p0 $0x0, s1;
	[sflag:s0] =	ssyncset.done @!p0 $0x0  }
0xf1: {  	[sflag:s0] =	ssyncadd.s32 @!p0 s1  }
0xf2: {  	[bflag:$0x3] =	sbarrier.arrive $0xFFFF  }
0xf3: {  	_ =	shalt  }

</sc_bundles>
